<compile_context>
chip_gen: v7x
topology: tpu7x:2x2x1
jax: 0.10.2.dev20260603
libtpu: 0.0.44.dev20260713+nightly
codegen_flags: <defaults>
</compile_context>

<pallas_src>
import functools

import jax
import jax.numpy as jnp
import numpy as np
from jax import lax
from jax.experimental import pallas as pl
from jax.experimental.pallas import tpu as pltpu
from jax.experimental.pallas import tpu_sc as plsc

_G = 50
_GP = 64
_P_LO, _P_HI = 0.01, 0.99
_RB = 128
_NC = 2
_NS = 16


def _prefix_incl(x):
    n = x.shape[-1]
    lane = lax.broadcasted_iota(jnp.int32, x.shape, x.ndim - 1)
    cs = x
    sh = 1
    while sh < n:
        r = pltpu.roll(cs, sh, axis=x.ndim - 1)
        cs = cs + jnp.where(lane >= sh, r, jnp.float32(0))
        sh *= 2
    return cs


def _prefix_sublane(x):
    n = x.shape[0]
    subl = lax.broadcasted_iota(jnp.int32, x.shape, 0)
    ss = x
    sh = 1
    while sh < n:
        r = pltpu.roll(ss, sh, axis=0)
        ss = ss + jnp.where(subl >= sh, r, jnp.float32(0))
        sh *= 2
    return ss


def _tc_prep(sp, num, mul, den):
    H, W = sp.shape
    nb = H // _RB

    def body(img_ref, num_ref, mul_ref, den_ref,
             sufh_ref, sufvt_ref, txh_ref, txv_ref, cnt_ref, ms_ref,
             carry_ref):
        i = pl.program_id(0)
        x = img_ref[...]
        sufh_ref[...] = _prefix_incl(x)

        @pl.when(i == 0)
        def _():
            carry_ref[...] = jnp.zeros_like(carry_ref)
            ms_ref[0] = jnp.float32(jnp.inf)
            ms_ref[1] = jnp.float32(0)
            xs = lax.broadcasted_iota(jnp.int32, (H, 1), 0).astype(jnp.float32)
            tv = (num_ref[1:2, :] - xs * mul_ref[1:2, :]) / den_ref[1:2, :]
            txv = jnp.clip(jnp.round(tv), 0.0, jnp.float32(H - 1))
            txv_ref[...] = txv.astype(jnp.int32)
            cnt_ref[1:2, :] = jnp.sum(jnp.float32(H) - txv, axis=0,
                                      keepdims=True)
            cnt_ref[0:1, :] = jnp.zeros((1, _GP), jnp.float32)

        colpre = _prefix_sublane(x) + carry_ref[...]
        carry_ref[...] = colpre[_RB - 1:_RB, :]
        sufvt_ref[...] = colpre.T

        ys = ((i * _RB).astype(jnp.float32)
              + lax.broadcasted_iota(jnp.int32, (_RB, 1), 0).astype(jnp.float32))
        t = (num_ref[0:1, :] - ys * mul_ref[0:1, :]) / den_ref[0:1, :]
        tx = jnp.clip(jnp.round(t), 0.0, jnp.float32(W - 1))
        txh_ref[...] = tx.astype(jnp.int32)
        cnt_ref[0:1, :] = cnt_ref[0:1, :] + jnp.sum(
            jnp.float32(W) - tx, axis=0, keepdims=True)

        ms_ref[0] = jnp.minimum(ms_ref[0], jnp.min(x))
        ms_ref[1] = ms_ref[1] + jnp.sum(x)

    return pl.pallas_call(
        body,
        grid=(nb,),
        in_specs=[
            pl.BlockSpec((_RB, W), lambda i: (i, 0)),
            pl.BlockSpec((2, _GP), lambda i: (0, 0)),
            pl.BlockSpec((2, _GP), lambda i: (0, 0)),
            pl.BlockSpec((2, _GP), lambda i: (0, 0)),
        ],
        out_specs=[
            pl.BlockSpec((_RB, W), lambda i: (i, 0)),
            pl.BlockSpec((W, _RB), lambda i: (0, i)),
            pl.BlockSpec((_RB, _GP), lambda i: (i, 0)),
            pl.BlockSpec((H, _GP), lambda i: (0, 0)),
            pl.BlockSpec((2, _GP), lambda i: (0, 0)),
            pl.BlockSpec(memory_space=pltpu.SMEM),
        ],
        out_shape=[
            jax.ShapeDtypeStruct((H, W), jnp.float32),
            jax.ShapeDtypeStruct((W, H), jnp.float32),
            jax.ShapeDtypeStruct((H, _GP), jnp.int32),
            jax.ShapeDtypeStruct((H, _GP), jnp.int32),
            jax.ShapeDtypeStruct((2, _GP), jnp.float32),
            jax.ShapeDtypeStruct((2,), jnp.float32),
        ],
        scratch_shapes=[pltpu.VMEM((1, W), jnp.float32)],
    )(sp, num, mul, den)


def _sc_gather(sufh, sufvt, txh, txv):
    nw = _NC * _NS
    H, W = sufh.shape
    rows = H // nw
    mesh = plsc.VectorSubcoreMesh(core_axis_name="c", subcore_axis_name="s",
                                  num_cores=_NC, num_subcores=_NS)

    @functools.partial(
        pl.kernel,
        out_type=jax.ShapeDtypeStruct((nw * 2 * _GP,), jnp.float32),
        mesh=mesh,
        compiler_params=pltpu.CompilerParams(needs_layout_passes=False),
        scratch_types=[
            pltpu.VMEM((rows, W), jnp.float32),
            pltpu.VMEM((rows, W), jnp.float32),
            pltpu.VMEM((rows, _GP), jnp.int32),
            pltpu.VMEM((rows, _GP), jnp.int32),
            pltpu.VMEM((2 * _GP,), jnp.float32),
            pltpu.SemaphoreType.DMA,
        ],
    )
    def run(sufh_hbm, sufvt_hbm, txh_hbm, txv_hbm, out_hbm,
            sufh_v, sufvt_v, txh_v, txv_v, acc_v, sem):
        wid = lax.axis_index("s") * _NC + lax.axis_index("c")
        base = wid * rows
        cps = [
            pltpu.async_copy(sufh_hbm.at[pl.ds(base, rows)], sufh_v, sem),
            pltpu.async_copy(sufvt_hbm.at[pl.ds(base, rows)], sufvt_v, sem),
            pltpu.async_copy(txh_hbm.at[pl.ds(base, rows)], txh_v, sem),
            pltpu.async_copy(txv_hbm.at[pl.ds(base, rows)], txv_v, sem),
        ]
        for cp in cps:
            cp.wait()
        nchunk = 2 * _GP // 16
        zero16 = jnp.zeros((16,), jnp.float32)
        one16 = jnp.full((16,), 1, jnp.int32)

        def row_step(r, accs):
            ridx = jnp.full((16,), r, dtype=jnp.int32)
            out = []
            for mode in range(2):
                suf_v = sufh_v if mode == 0 else sufvt_v
                tx_v = txh_v if mode == 0 else txv_v
                for gc in range(_GP // 16):
                    cols = tx_v[r, pl.ds(gc * 16, 16)]
                    msk = cols >= one16
                    colm = jnp.maximum(cols - one16, 0)
                    vals = plsc.load_gather(suf_v, [ridx, colm], mask=msk)
                    out.append(accs[mode * (_GP // 16) + gc] + vals)
            return tuple(out)

        accs = lax.fori_loop(0, rows, row_step, (zero16,) * nchunk)
        for j in range(nchunk):
            acc_v[pl.ds(j * 16, 16)] = accs[j]
        pltpu.sync_copy(acc_v, out_hbm.at[pl.ds(wid * 2 * _GP, 2 * _GP)])

    return run(sufh, sufvt, txh, txv)


def _tc_final(partials, cnt, tabs, ms, n_pix):
    nw = partials.shape[0]

    def body(part_ref, cnt_ref, tabs_ref, ms_ref, out_ref):
        tails = jnp.sum(part_ref[...], axis=0, keepdims=True)
        lane = lax.broadcasted_iota(jnp.int32, (1, _GP), 1)
        m = ms_ref[0]
        s = ms_ref[1]
        denom = s - m * jnp.float32(n_pix)

        def values_from(a_w, a_c):
            sh_w = jnp.where(lane <= _G - 2, pltpu.roll(a_w, _GP - 1, axis=1), 0.0)
            sh_c = jnp.where(lane <= _G - 2, pltpu.roll(a_c, _GP - 1, axis=1), 0.0)
            vw = jnp.where(lane <= _G - 1, a_w - sh_w, 0.0)
            vc = jnp.where(lane <= _G - 1, a_c - sh_c, 0.0)
            return (vw - m * vc) / denom

        def get_idx(vals):
            c = _prefix_incl(vals) / jnp.sum(vals)
            big = jnp.int32(1 << 20)
            valid = lane <= _G - 1
            lower = jnp.min(jnp.where((c >= _P_LO) & valid, lane, big))
            maxj = jnp.max(jnp.where((c <= _P_HI) & valid, lane, -big))
            upper = jnp.where(maxj >= 0, maxj + 2, jnp.int32(_G + 1))
            return lower.astype(jnp.int32), upper.astype(jnp.int32)

        vals_h = values_from(s - tails[:, :_GP], cnt_ref[0:1, :])
        vals_v = values_from(s - tails[:, _GP:], cnt_ref[1:2, :])
        lb_h, ub_h = get_idx(vals_h)
        lb_v, ub_v = get_idx(vals_v)

        def tak(row, idx):
            i2 = jnp.where(idx == 0, 0, _G - idx)
            i2 = jnp.clip(i2, 0, _G - 1)
            return jnp.sum(jnp.where(lane == i2, tabs_ref[row:row + 1, :],
                                     jnp.float32(0)))

        r1a = tak(0, lb_h); c1a = tak(1, lb_h); s1a = tak(2, lb_h)
        r1b = tak(0, ub_h); c1b = tak(1, ub_h); s1b = tak(2, ub_h)
        r2a = tak(0, lb_v); c2a = tak(3, lb_v); s2a = tak(4, lb_v)
        r2b = tak(0, ub_v); c2b = tak(3, ub_v); s2b = tak(4, ub_v)

        def inter(k, r1, c1, s1, r2, c2, s2):
            det = c1 * s2 - c2 * s1
            out_ref[k, 0] = (r1 * s2 - r2 * s1) / det
            out_ref[k, 1] = (r2 * c1 - r1 * c2) / det

        inter(0, r1a, c1a, s1a, r2a, c2a, s2a)
        inter(1, r1b, c1b, s1b, r2a, c2a, s2a)
        inter(2, r1b, c1b, s1b, r2b, c2b, s2b)
        inter(3, r1a, c1a, s1a, r2b, c2b, s2b)

    return pl.pallas_call(
        body,
        in_specs=[
            pl.BlockSpec((nw, 2 * _GP), lambda: (0, 0)),
            pl.BlockSpec((2, _GP), lambda: (0, 0)),
            pl.BlockSpec((8, _GP), lambda: (0, 0)),
            pl.BlockSpec(memory_space=pltpu.SMEM),
        ],
        out_specs=pl.BlockSpec(memory_space=pltpu.SMEM),
        out_shape=jax.ShapeDtypeStruct((4, 2), jnp.float32),
    )(partials, cnt, tabs, ms)


_LANES = np.arange(_GP)
_VALID_L = (_LANES >= 1) & (_LANES <= _G - 1)
_G_OF_L = np.clip(_G - _LANES, 0, _GP - 1)


def kernel(signal_probabilities, rho_max, rho_min, theta_min_horizontal,
           theta_max_horizontal, theta_min_vertical, theta_max_vertical):
    sp = jnp.squeeze(signal_probabilities)
    H, W = sp.shape
    rho_max = jnp.reshape(rho_max, ()).astype(jnp.float32)
    rho_min = jnp.reshape(rho_min, ()).astype(jnp.float32)
    t_min_h = jnp.reshape(theta_min_horizontal, ()).astype(jnp.float32)
    t_max_h = jnp.reshape(theta_max_horizontal, ()).astype(jnp.float32)
    t_min_v = jnp.reshape(theta_min_vertical, ()).astype(jnp.float32)
    t_max_v = jnp.reshape(theta_max_vertical, ()).astype(jnp.float32)

    t_orig = jnp.concatenate([
        jnp.arange(_G, dtype=jnp.float32) / (_G - 1),
        jnp.zeros((_GP - _G,), jnp.float32)])
    t_lane = t_orig[jnp.asarray(_G_OF_L)]
    valid = jnp.asarray(_VALID_L)
    rhos_l = rho_max + (rho_min - rho_max) * t_lane
    th_h_l = t_min_h + (t_max_h - t_min_h) * t_lane
    th_v_l = t_min_v + (t_max_v - t_min_v) * t_lane
    num_row = jnp.where(valid, rhos_l, 0.0)
    mul_h = jnp.where(valid, jnp.cos(th_h_l), 0.0)
    den_h = jnp.where(valid, jnp.sin(th_h_l), 1.0)
    mul_v = jnp.where(valid, jnp.sin(th_v_l), 0.0)
    den_v = jnp.where(valid, jnp.cos(th_v_l), 1.0)
    num = jnp.stack([num_row, num_row])
    mul = jnp.stack([mul_h, mul_v])
    den = jnp.stack([den_h, den_v])

    rhos_o = rho_max + (rho_min - rho_max) * t_orig
    th_h_o = t_min_h + (t_max_h - t_min_h) * t_orig
    th_v_o = t_min_v + (t_max_v - t_min_v) * t_orig
    zrow = jnp.zeros((_GP,), jnp.float32)
    tabs = jnp.stack([
        rhos_o, jnp.cos(th_h_o), jnp.sin(th_h_o),
        jnp.cos(th_v_o), jnp.sin(th_v_o), zrow, zrow, zrow,
    ])

    nw = _NC * _NS
    sufh, sufvt, txh, txv, cnt, ms = _tc_prep(sp, num, mul, den)
    partials = _sc_gather(sufh, sufvt, txh, txv)
    return _tc_final(partials.reshape(nw, 2 * _GP), cnt, tabs, ms, H * W)

# --- scband reference (transcript-rebuilt; emitter-appended) ---
"""Pipeline reference for scband-cropper-29824252903495 (READ-ONLY COPY).

The authoritative reference and input builder live on the scoring server;
editing this copy changes nothing except your own understanding.
"""

import jax, jax.numpy as jnp
import numpy as np

GRANULARITY = 50
P_LO, P_HI = 0.01, 0.99


def _linspace(start, stop, n):
    t = jnp.arange(n, dtype=jnp.float32) / (n - 1)
    return start + (stop - start) * t


def _neg_take(a, i):
    # replicates python negative indexing a[-i] (with a[-0] == a[0])
    idx = jnp.where(i == 0, 0, a.shape[0] - i)
    return jnp.take(a, idx, mode='clip')


def _line_intersection_from_hough(rho1, t1, rho2, t2):
    det = jnp.cos(t1) * jnp.sin(t2) - jnp.cos(t2) * jnp.sin(t1)
    x = (rho1 * jnp.sin(t2) - rho2 * jnp.sin(t1)) / det
    y = (rho2 * jnp.cos(t1) - rho1 * jnp.cos(t2)) / det
    return jnp.stack((x, y))


def _fill_buffer(H, W, thetas, rhos, mode):
    # bin index per pixel = number of Hough lines lying on the low-coordinate side
    if mode == 'horizontal':
        y = jnp.arange(H, dtype=jnp.float32)
        x = (rhos[:, None] - y[None, :] * jnp.cos(thetas)[:, None]) / jnp.sin(thetas)[:, None]  # [G,H]
        x = jnp.clip(jnp.round(x).astype(jnp.int32), 0, W - 1)
        cols = jnp.arange(W, dtype=jnp.int32)
        buf = jnp.sum(cols[None, None, :] >= x[:, :, None], axis=0)  # [H,W]
    else:
        xg = jnp.arange(W, dtype=jnp.float32)
        yl = (rhos[:, None] - xg[None, :] * jnp.sin(thetas)[:, None]) / jnp.cos(thetas)[:, None]  # [G,W]
        yl = jnp.clip(jnp.round(yl).astype(jnp.int32), 0, H - 1)
        rows = jnp.arange(H, dtype=jnp.int32)
        buf = jnp.sum(rows[:, None, None] >= yl[None, :, :], axis=1)  # [H,W]
    return jnp.clip(buf, 0, GRANULARITY - 1).astype(jnp.int32)


def _calculate_values(buf, nsp):
    # histogram of probability mass per bin (scatter-add == one_hot*probs summed)
    return jnp.zeros((GRANULARITY,), nsp.dtype).at[buf.ravel()].add(nsp.ravel())


def _get_indices(values):
    c = jnp.cumsum(values) / jnp.sum(values)
    lower = jnp.argmax(c >= P_LO).astype(jnp.int32)
    rev = (c <= P_HI)[::-1]
    upper = (values.shape[0] - 1 - jnp.argmax(rev).astype(jnp.int32)) + 2
    return lower, upper


def _forward(sp, rho_max, rho_min, t_min_h, t_max_h, t_min_v, t_max_v):
    rho_max = jnp.reshape(rho_max, ())
    rho_min = jnp.reshape(rho_min, ())
    t_min_h = jnp.reshape(t_min_h, ())
    t_max_h = jnp.reshape(t_max_h, ())
    t_min_v = jnp.reshape(t_min_v, ())
    t_max_v = jnp.reshape(t_max_v, ())
    nsp = sp - jnp.min(sp)
    nsp = nsp / jnp.sum(nsp)
    nsp = jnp.squeeze(nsp)
    H, W = nsp.shape
    rhos = _linspace(rho_max, rho_min, GRANULARITY)
    thetas_h = _linspace(t_min_h, t_max_h, GRANULARITY)
    thetas_v = _linspace(t_min_v, t_max_v, GRANULARITY)
    buf_h = _fill_buffer(H, W, thetas_h, rhos, 'horizontal')
    lb_h, ub_h = _get_indices(_calculate_values(buf_h, nsp))
    buf_v = _fill_buffer(H, W, thetas_v, rhos, 'vertical')
    lb_v, ub_v = _get_indices(_calculate_values(buf_v, nsp))
    rmin_h = _neg_take(rhos, lb_h); rmax_h = _neg_take(rhos, ub_h)
    tmin_h = _neg_take(thetas_h, lb_h); tmax_h = _neg_take(thetas_h, ub_h)
    rmin_v = _neg_take(rhos, lb_v); rmax_v = _neg_take(rhos, ub_v)
    tmin_v = _neg_take(thetas_v, lb_v); tmax_v = _neg_take(thetas_v, ub_v)
    return jnp.stack([
        _line_intersection_from_hough(rmin_h, tmin_h, rmin_v, tmin_v),
        _line_intersection_from_hough(rmax_h, tmax_h, rmin_v, tmin_v),
        _line_intersection_from_hough(rmax_h, tmax_h, rmax_v, tmax_v),
        _line_intersection_from_hough(rmin_h, tmin_h, rmax_v, tmax_v),
    ], axis=0)


def setup_inputs(seed: int = 0) -> dict:
    key = jax.random.key(seed)
    H = W = 1024
    sp = jax.random.uniform(key, (H, W), dtype=jnp.float32)
    return {
        'signal_probabilities': sp,
        'rho_max': jnp.array([float(max(H, W))], dtype=jnp.float32),
        'rho_min': jnp.array([0.0], dtype=jnp.float32),
        'theta_min_horizontal': jnp.array([1.47], dtype=jnp.float32),
        'theta_max_horizontal': jnp.array([1.67], dtype=jnp.float32),
        'theta_min_vertical': jnp.array([-0.10], dtype=jnp.float32),
        'theta_max_vertical': jnp.array([0.10], dtype=jnp.float32),
    }


def reference(signal_probabilities, rho_max, rho_min, theta_min_horizontal, theta_max_horizontal, theta_min_vertical, theta_max_vertical):
    return _forward(signal_probabilities, rho_max, rho_min, theta_min_horizontal, theta_max_horizontal, theta_min_vertical, theta_max_vertical)

if __name__ == "__main__":
    import jax
    _d = setup_inputs()
    print(jax.jit(kernel)(*tuple(_d.values())))

</pallas_src>

<mosaic_0001>
#map = affine_map<(d0, d1) -> (0, 0)>
#map1 = affine_map<(d0, d1) -> (0)>
module attributes {stable_mosaic.version = 14 : i64} {
  func.func @run(%arg0: i32, %arg1: i32, %arg2: memref<1024x1024xf32, #tpu.memory_space<hbm>>, %arg3: memref<1024x1024xf32, #tpu.memory_space<hbm>>, %arg4: memref<1024x64xi32, #tpu.memory_space<hbm>>, %arg5: memref<1024x64xi32, #tpu.memory_space<hbm>>, %arg6: memref<4096xf32, #tpu.memory_space<hbm>>, %arg7: memref<32x1024xf32, #tpu.memory_space<vmem>>, %arg8: memref<32x1024xf32, #tpu.memory_space<vmem>>, %arg9: memref<32x64xi32, #tpu.memory_space<vmem>>, %arg10: memref<32x64xi32, #tpu.memory_space<vmem>>, %arg11: memref<128xf32, #tpu.memory_space<vmem>>, %arg12: memref<!tpu.dma_semaphore, #tpu.memory_space<semaphore_mem>>) attributes {dimension_semantics = [#tpu.dimension_semantics<core_parallel>, #tpu.dimension_semantics<subcore_parallel>], iteration_bounds = array<i64: 2, 16>, scalar_prefetch = 0 : i64, scratch_operands = 6 : i64, tpu.core_type = #tpu.core_type<sc_vector_subcore>, window_params = [{transform_indices = #map}, {transform_indices = #map}, {transform_indices = #map}, {transform_indices = #map}, {transform_indices = #map1}]} {
    %mul3A = arith.constant 2 : i32
    %mul3A_0 = arith.muli %arg1, %mul3A : i32
    %add3A = arith.addi %mul3A_0, %arg0 : i32
    %mul3A_1 = arith.constant 32 : i32
    %mul3A_2 = arith.muli %add3A, %mul3A_1 : i32
    %dma_start3A = arith.constant 0 : i32
    %dma_start3A_3 = tpu.memref_slice %arg2[%mul3A_2, %dma_start3A] : memref<1024x1024xf32, #tpu.memory_space<hbm>> -> memref<32x1024xf32, #tpu.memory_space<hbm>>
    %dma_start3A_4 = arith.constant 0 : i32
    %dma_start3A_5 = tpu.memref_slice %arg2[%mul3A_2, %dma_start3A_4] : memref<1024x1024xf32, #tpu.memory_space<hbm>> -> memref<32x1024xf32, #tpu.memory_space<hbm>>
    tpu.enqueue_dma source(%dma_start3A_5 : memref<32x1024xf32, #tpu.memory_space<hbm>>) target(%arg7 : memref<32x1024xf32, #tpu.memory_space<vmem>>) target_semaphore(%arg12 : memref<!tpu.dma_semaphore, #tpu.memory_space<semaphore_mem>>)
    %dma_start3A_6 = arith.constant 0 : i32
    %dma_start3A_7 = tpu.memref_slice %arg3[%mul3A_2, %dma_start3A_6] : memref<1024x1024xf32, #tpu.memory_space<hbm>> -> memref<32x1024xf32, #tpu.memory_space<hbm>>
    %dma_start3A_8 = arith.constant 0 : i32
    %dma_start3A_9 = tpu.memref_slice %arg3[%mul3A_2, %dma_start3A_8] : memref<1024x1024xf32, #tpu.memory_space<hbm>> -> memref<32x1024xf32, #tpu.memory_space<hbm>>
    tpu.enqueue_dma source(%dma_start3A_9 : memref<32x1024xf32, #tpu.memory_space<hbm>>) target(%arg8 : memref<32x1024xf32, #tpu.memory_space<vmem>>) target_semaphore(%arg12 : memref<!tpu.dma_semaphore, #tpu.memory_space<semaphore_mem>>)
    %dma_start3A_10 = arith.constant 0 : i32
    %dma_start3A_11 = tpu.memref_slice %arg4[%mul3A_2, %dma_start3A_10] : memref<1024x64xi32, #tpu.memory_space<hbm>> -> memref<32x64xi32, #tpu.memory_space<hbm>>
    %dma_start3A_12 = arith.constant 0 : i32
    %dma_start3A_13 = tpu.memref_slice %arg4[%mul3A_2, %dma_start3A_12] : memref<1024x64xi32, #tpu.memory_space<hbm>> -> memref<32x64xi32, #tpu.memory_space<hbm>>
    tpu.enqueue_dma source(%dma_start3A_13 : memref<32x64xi32, #tpu.memory_space<hbm>>) target(%arg9 : memref<32x64xi32, #tpu.memory_space<vmem>>) target_semaphore(%arg12 : memref<!tpu.dma_semaphore, #tpu.memory_space<semaphore_mem>>)
    %dma_start3A_14 = arith.constant 0 : i32
    %dma_start3A_15 = tpu.memref_slice %arg5[%mul3A_2, %dma_start3A_14] : memref<1024x64xi32, #tpu.memory_space<hbm>> -> memref<32x64xi32, #tpu.memory_space<hbm>>
    %dma_start3A_16 = arith.constant 0 : i32
    %dma_start3A_17 = tpu.memref_slice %arg5[%mul3A_2, %dma_start3A_16] : memref<1024x64xi32, #tpu.memory_space<hbm>> -> memref<32x64xi32, #tpu.memory_space<hbm>>
    tpu.enqueue_dma source(%dma_start3A_17 : memref<32x64xi32, #tpu.memory_space<hbm>>) target(%arg10 : memref<32x64xi32, #tpu.memory_space<vmem>>) target_semaphore(%arg12 : memref<!tpu.dma_semaphore, #tpu.memory_space<semaphore_mem>>)
    %dma_wait3A = arith.constant 0 : i32
    %dma_wait3A_18 = tpu.memref_slice %arg2[%mul3A_2, %dma_wait3A] : memref<1024x1024xf32, #tpu.memory_space<hbm>> -> memref<32x1024xf32, #tpu.memory_space<hbm>>
    %dma_wait3A_19 = arith.constant 0 : i32
    %dma_wait3A_20 = tpu.memref_slice %arg2[%mul3A_2, %dma_wait3A_19] : memref<1024x1024xf32, #tpu.memory_space<hbm>> -> memref<32x1024xf32, #tpu.memory_space<hbm>>
    tpu.wait_dma2 semaphore(%arg12 : memref<!tpu.dma_semaphore, #tpu.memory_space<semaphore_mem>>) src(%dma_wait3A_20 : memref<32x1024xf32, #tpu.memory_space<hbm>>) dst(%arg7 : memref<32x1024xf32, #tpu.memory_space<vmem>>)
    %dma_wait3A_21 = arith.constant 0 : i32
    %dma_wait3A_22 = tpu.memref_slice %arg3[%mul3A_2, %dma_wait3A_21] : memref<1024x1024xf32, #tpu.memory_space<hbm>> -> memref<32x1024xf32, #tpu.memory_space<hbm>>
    %dma_wait3A_23 = arith.constant 0 : i32
    %dma_wait3A_24 = tpu.memref_slice %arg3[%mul3A_2, %dma_wait3A_23] : memref<1024x1024xf32, #tpu.memory_space<hbm>> -> memref<32x1024xf32, #tpu.memory_space<hbm>>
    tpu.wait_dma2 semaphore(%arg12 : memref<!tpu.dma_semaphore, #tpu.memory_space<semaphore_mem>>) src(%dma_wait3A_24 : memref<32x1024xf32, #tpu.memory_space<hbm>>) dst(%arg8 : memref<32x1024xf32, #tpu.memory_space<vmem>>)
    %dma_wait3A_25 = arith.constant 0 : i32
    %dma_wait3A_26 = tpu.memref_slice %arg4[%mul3A_2, %dma_wait3A_25] : memref<1024x64xi32, #tpu.memory_space<hbm>> -> memref<32x64xi32, #tpu.memory_space<hbm>>
    %dma_wait3A_27 = arith.constant 0 : i32
    %dma_wait3A_28 = tpu.memref_slice %arg4[%mul3A_2, %dma_wait3A_27] : memref<1024x64xi32, #tpu.memory_space<hbm>> -> memref<32x64xi32, #tpu.memory_space<hbm>>
    tpu.wait_dma2 semaphore(%arg12 : memref<!tpu.dma_semaphore, #tpu.memory_space<semaphore_mem>>) src(%dma_wait3A_28 : memref<32x64xi32, #tpu.memory_space<hbm>>) dst(%arg9 : memref<32x64xi32, #tpu.memory_space<vmem>>)
    %dma_wait3A_29 = arith.constant 0 : i32
    %dma_wait3A_30 = tpu.memref_slice %arg5[%mul3A_2, %dma_wait3A_29] : memref<1024x64xi32, #tpu.memory_space<hbm>> -> memref<32x64xi32, #tpu.memory_space<hbm>>
    %dma_wait3A_31 = arith.constant 0 : i32
    %dma_wait3A_32 = tpu.memref_slice %arg5[%mul3A_2, %dma_wait3A_31] : memref<1024x64xi32, #tpu.memory_space<hbm>> -> memref<32x64xi32, #tpu.memory_space<hbm>>
    tpu.wait_dma2 semaphore(%arg12 : memref<!tpu.dma_semaphore, #tpu.memory_space<semaphore_mem>>) src(%dma_wait3A_32 : memref<32x64xi32, #tpu.memory_space<hbm>>) dst(%arg10 : memref<32x64xi32, #tpu.memory_space<vmem>>)
    %broadcast_in_dim3A = arith.constant 0.000000e+00 : f32
    %broadcast_in_dim3A_33 = vector.broadcast %broadcast_in_dim3A : f32 to vector<16xf32>
    %broadcast_in_dim3A_34 = arith.constant 1 : i32
    %broadcast_in_dim3A_35 = vector.broadcast %broadcast_in_dim3A_34 : i32 to vector<16xi32>
    %scan3A = arith.constant 0 : i32
    %scan3A_36 = arith.constant 32 : i32
    %scan3A_37 = arith.addi %scan3A, %scan3A_36 : i32
    %scan3A_38 = arith.constant 1 : i32
    %scan3A_39:8 = scf.for %scan3A_60 = %scan3A to %scan3A_37 step %scan3A_38 iter_args(%scan3A_61 = %broadcast_in_dim3A_33, %scan3A_62 = %broadcast_in_dim3A_33, %scan3A_63 = %broadcast_in_dim3A_33, %scan3A_64 = %broadcast_in_dim3A_33, %scan3A_65 = %broadcast_in_dim3A_33, %scan3A_66 = %broadcast_in_dim3A_33, %scan3A_67 = %broadcast_in_dim3A_33, %scan3A_68 = %broadcast_in_dim3A_33) -> (vector<16xf32>, vector<16xf32>, vector<16xf32>, vector<16xf32>, vector<16xf32>, vector<16xf32>, vector<16xf32>, vector<16xf32>)  : i32 {
      %broadcast_in_dim3A_69 = vector.broadcast %scan3A_60 : i32 to vector<16xi32>
      %get3A = arith.index_cast %scan3A_60 : i32 to index
      %get3A_70 = arith.constant 0 : index
      %get3A_71 = tpu.vector_load %arg9[%get3A, %get3A_70] {strides = array<i32>} : memref<32x64xi32, #tpu.memory_space<vmem>>, vector<16xi32>,
      %ge3A = arith.cmpi sge, %get3A_71, %broadcast_in_dim3A_35 : vector<16xi32>
      %sub3A = arith.subi %get3A_71, %broadcast_in_dim3A_35 : vector<16xi32>
      %max3A = arith.constant 0 : i32
      %max3A_72 = vector.broadcast %max3A : i32 to vector<16xi32>
      %max3A_73 = arith.maxsi %sub3A, %max3A_72 : vector<16xi32>
      %gather3A = tpu.vector_load_idx %arg7[%broadcast_in_dim3A_69, %max3A_73] masked %ge3A : memref<32x1024xf32, #tpu.memory_space<vmem>>[vector<16xi32>, vector<16xi32>], vector<16xf32>, vector<16xi1>
      %add3A_74 = arith.addf %scan3A_61, %gather3A : vector<16xf32>
      %get3A_75 = arith.index_cast %scan3A_60 : i32 to index
      %get3A_76 = arith.constant 16 : index
      %get3A_77 = tpu.vector_load %arg9[%get3A_75, %get3A_76] {strides = array<i32>} : memref<32x64xi32, #tpu.memory_space<vmem>>, vector<16xi32>,
      %ge3A_78 = arith.cmpi sge, %get3A_77, %broadcast_in_dim3A_35 : vector<16xi32>
      %sub3A_79 = arith.subi %get3A_77, %broadcast_in_dim3A_35 : vector<16xi32>
      %max3A_80 = arith.constant 0 : i32
      %max3A_81 = vector.broadcast %max3A_80 : i32 to vector<16xi32>
      %max3A_82 = arith.maxsi %sub3A_79, %max3A_81 : vector<16xi32>
      %gather3A_83 = tpu.vector_load_idx %arg7[%broadcast_in_dim3A_69, %max3A_82] masked %ge3A_78 : memref<32x1024xf32, #tpu.memory_space<vmem>>[vector<16xi32>, vector<16xi32>], vector<16xf32>, vector<16xi1>
      %add3A_84 = arith.addf %scan3A_62, %gather3A_83 : vector<16xf32>
      %get3A_85 = arith.index_cast %scan3A_60 : i32 to index
      %get3A_86 = arith.constant 32 : index
      %get3A_87 = tpu.vector_load %arg9[%get3A_85, %get3A_86] {strides = array<i32>} : memref<32x64xi32, #tpu.memory_space<vmem>>, vector<16xi32>,
      %ge3A_88 = arith.cmpi sge, %get3A_87, %broadcast_in_dim3A_35 : vector<16xi32>
      %sub3A_89 = arith.subi %get3A_87, %broadcast_in_dim3A_35 : vector<16xi32>
      %max3A_90 = arith.constant 0 : i32
      %max3A_91 = vector.broadcast %max3A_90 : i32 to vector<16xi32>
      %max3A_92 = arith.maxsi %sub3A_89, %max3A_91 : vector<16xi32>
      %gather3A_93 = tpu.vector_load_idx %arg7[%broadcast_in_dim3A_69, %max3A_92] masked %ge3A_88 : memref<32x1024xf32, #tpu.memory_space<vmem>>[vector<16xi32>, vector<16xi32>], vector<16xf32>, vector<16xi1>
      %add3A_94 = arith.addf %scan3A_63, %gather3A_93 : vector<16xf32>
      %get3A_95 = arith.index_cast %scan3A_60 : i32 to index
      %get3A_96 = arith.constant 48 : index
      %get3A_97 = tpu.vector_load %arg9[%get3A_95, %get3A_96] {strides = array<i32>} : memref<32x64xi32, #tpu.memory_space<vmem>>, vector<16xi32>,
      %ge3A_98 = arith.cmpi sge, %get3A_97, %broadcast_in_dim3A_35 : vector<16xi32>
      %sub3A_99 = arith.subi %get3A_97, %broadcast_in_dim3A_35 : vector<16xi32>
      %max3A_100 = arith.constant 0 : i32
      %max3A_101 = vector.broadcast %max3A_100 : i32 to vector<16xi32>
      %max3A_102 = arith.maxsi %sub3A_99, %max3A_101 : vector<16xi32>
      %gather3A_103 = tpu.vector_load_idx %arg7[%broadcast_in_dim3A_69, %max3A_102] masked %ge3A_98 : memref<32x1024xf32, #tpu.memory_space<vmem>>[vector<16xi32>, vector<16xi32>], vector<16xf32>, vector<16xi1>
      %add3A_104 = arith.addf %scan3A_64, %gather3A_103 : vector<16xf32>
      %get3A_105 = arith.index_cast %scan3A_60 : i32 to index
      %get3A_106 = arith.constant 0 : index
      %get3A_107 = tpu.vector_load %arg10[%get3A_105, %get3A_106] {strides = array<i32>} : memref<32x64xi32, #tpu.memory_space<vmem>>, vector<16xi32>,
      %ge3A_108 = arith.cmpi sge, %get3A_107, %broadcast_in_dim3A_35 : vector<16xi32>
      %sub3A_109 = arith.subi %get3A_107, %broadcast_in_dim3A_35 : vector<16xi32>
      %max3A_110 = arith.constant 0 : i32
      %max3A_111 = vector.broadcast %max3A_110 : i32 to vector<16xi32>
      %max3A_112 = arith.maxsi %sub3A_109, %max3A_111 : vector<16xi32>
      %gather3A_113 = tpu.vector_load_idx %arg8[%broadcast_in_dim3A_69, %max3A_112] masked %ge3A_108 : memref<32x1024xf32, #tpu.memory_space<vmem>>[vector<16xi32>, vector<16xi32>], vector<16xf32>, vector<16xi1>
      %add3A_114 = arith.addf %scan3A_65, %gather3A_113 : vector<16xf32>
      %get3A_115 = arith.index_cast %scan3A_60 : i32 to index
      %get3A_116 = arith.constant 16 : index
      %get3A_117 = tpu.vector_load %arg10[%get3A_115, %get3A_116] {strides = array<i32>} : memref<32x64xi32, #tpu.memory_space<vmem>>, vector<16xi32>,
      %ge3A_118 = arith.cmpi sge, %get3A_117, %broadcast_in_dim3A_35 : vector<16xi32>
      %sub3A_119 = arith.subi %get3A_117, %broadcast_in_dim3A_35 : vector<16xi32>
      %max3A_120 = arith.constant 0 : i32
      %max3A_121 = vector.broadcast %max3A_120 : i32 to vector<16xi32>
      %max3A_122 = arith.maxsi %sub3A_119, %max3A_121 : vector<16xi32>
      %gather3A_123 = tpu.vector_load_idx %arg8[%broadcast_in_dim3A_69, %max3A_122] masked %ge3A_118 : memref<32x1024xf32, #tpu.memory_space<vmem>>[vector<16xi32>, vector<16xi32>], vector<16xf32>, vector<16xi1>
      %add3A_124 = arith.addf %scan3A_66, %gather3A_123 : vector<16xf32>
      %get3A_125 = arith.index_cast %scan3A_60 : i32 to index
      %get3A_126 = arith.constant 32 : index
      %get3A_127 = tpu.vector_load %arg10[%get3A_125, %get3A_126] {strides = array<i32>} : memref<32x64xi32, #tpu.memory_space<vmem>>, vector<16xi32>,
      %ge3A_128 = arith.cmpi sge, %get3A_127, %broadcast_in_dim3A_35 : vector<16xi32>
      %sub3A_129 = arith.subi %get3A_127, %broadcast_in_dim3A_35 : vector<16xi32>
      %max3A_130 = arith.constant 0 : i32
      %max3A_131 = vector.broadcast %max3A_130 : i32 to vector<16xi32>
      %max3A_132 = arith.maxsi %sub3A_129, %max3A_131 : vector<16xi32>
      %gather3A_133 = tpu.vector_load_idx %arg8[%broadcast_in_dim3A_69, %max3A_132] masked %ge3A_128 : memref<32x1024xf32, #tpu.memory_space<vmem>>[vector<16xi32>, vector<16xi32>], vector<16xf32>, vector<16xi1>
      %add3A_134 = arith.addf %scan3A_67, %gather3A_133 : vector<16xf32>
      %get3A_135 = arith.index_cast %scan3A_60 : i32 to index
      %get3A_136 = arith.constant 48 : index
      %get3A_137 = tpu.vector_load %arg10[%get3A_135, %get3A_136] {strides = array<i32>} : memref<32x64xi32, #tpu.memory_space<vmem>>, vector<16xi32>,
      %ge3A_138 = arith.cmpi sge, %get3A_137, %broadcast_in_dim3A_35 : vector<16xi32>
      %sub3A_139 = arith.subi %get3A_137, %broadcast_in_dim3A_35 : vector<16xi32>
      %max3A_140 = arith.constant 0 : i32
      %max3A_141 = vector.broadcast %max3A_140 : i32 to vector<16xi32>
      %max3A_142 = arith.maxsi %sub3A_139, %max3A_141 : vector<16xi32>
      %gather3A_143 = tpu.vector_load_idx %arg8[%broadcast_in_dim3A_69, %max3A_142] masked %ge3A_138 : memref<32x1024xf32, #tpu.memory_space<vmem>>[vector<16xi32>, vector<16xi32>], vector<16xf32>, vector<16xi1>
      %add3A_144 = arith.addf %scan3A_68, %gather3A_143 : vector<16xf32>
      scf.yield %add3A_74, %add3A_84, %add3A_94, %add3A_104, %add3A_114, %add3A_124, %add3A_134, %add3A_144 : vector<16xf32>, vector<16xf32>, vector<16xf32>, vector<16xf32>, vector<16xf32>, vector<16xf32>, vector<16xf32>, vector<16xf32>
    }
    %scan3A_40 = arith.constant 32 : i32
    %swap3A = arith.constant 0 : index
    %swap3A_41 = tpu.vector_load %arg11[%swap3A] {strides = array<i32>} : memref<128xf32, #tpu.memory_space<vmem>>, vector<16xf32>,
    tpu.vector_store %arg11[%swap3A], %scan3A_39#0 {strides = array<i32>} : memref<128xf32, #tpu.memory_space<vmem>>, vector<16xf32>,
    %swap3A_42 = arith.constant 16 : index
    %swap3A_43 = tpu.vector_load %arg11[%swap3A_42] {strides = array<i32>} : memref<128xf32, #tpu.memory_space<vmem>>, vector<16xf32>,
    tpu.vector_store %arg11[%swap3A_42], %scan3A_39#1 {strides = array<i32>} : memref<128xf32, #tpu.memory_space<vmem>>, vector<16xf32>,
    %swap3A_44 = arith.constant 32 : index
    %swap3A_45 = tpu.vector_load %arg11[%swap3A_44] {strides = array<i32>} : memref<128xf32, #tpu.memory_space<vmem>>, vector<16xf32>,
    tpu.vector_store %arg11[%swap3A_44], %scan3A_39#2 {strides = array<i32>} : memref<128xf32, #tpu.memory_space<vmem>>, vector<16xf32>,
    %swap3A_46 = arith.constant 48 : index
    %swap3A_47 = tpu.vector_load %arg11[%swap3A_46] {strides = array<i32>} : memref<128xf32, #tpu.memory_space<vmem>>, vector<16xf32>,
    tpu.vector_store %arg11[%swap3A_46], %scan3A_39#3 {strides = array<i32>} : memref<128xf32, #tpu.memory_space<vmem>>, vector<16xf32>,
    %swap3A_48 = arith.constant 64 : index
    %swap3A_49 = tpu.vector_load %arg11[%swap3A_48] {strides = array<i32>} : memref<128xf32, #tpu.memory_space<vmem>>, vector<16xf32>,
    tpu.vector_store %arg11[%swap3A_48], %scan3A_39#4 {strides = array<i32>} : memref<128xf32, #tpu.memory_space<vmem>>, vector<16xf32>,
    %swap3A_50 = arith.constant 80 : index
    %swap3A_51 = tpu.vector_load %arg11[%swap3A_50] {strides = array<i32>} : memref<128xf32, #tpu.memory_space<vmem>>, vector<16xf32>,
    tpu.vector_store %arg11[%swap3A_50], %scan3A_39#5 {strides = array<i32>} : memref<128xf32, #tpu.memory_space<vmem>>, vector<16xf32>,
    %swap3A_52 = arith.constant 96 : index
    %swap3A_53 = tpu.vector_load %arg11[%swap3A_52] {strides = array<i32>} : memref<128xf32, #tpu.memory_space<vmem>>, vector<16xf32>,
    tpu.vector_store %arg11[%swap3A_52], %scan3A_39#6 {strides = array<i32>} : memref<128xf32, #tpu.memory_space<vmem>>, vector<16xf32>,
    %swap3A_54 = arith.constant 112 : index
    %swap3A_55 = tpu.vector_load %arg11[%swap3A_54] {strides = array<i32>} : memref<128xf32, #tpu.memory_space<vmem>>, vector<16xf32>,
    tpu.vector_store %arg11[%swap3A_54], %scan3A_39#7 {strides = array<i32>} : memref<128xf32, #tpu.memory_space<vmem>>, vector<16xf32>,
    %mul3A_56 = arith.constant 2 : i32
    %mul3A_57 = arith.muli %add3A, %mul3A_56 : i32
    %mul3A_58 = arith.constant 64 : i32
    %mul3A_59 = arith.muli %mul3A_57, %mul3A_58 : i32
    "tpu.region"() ({
      %run_scoped3A = tpu.sem_alloc : memref<!tpu.dma_semaphore, #tpu.memory_space<semaphore_mem>>
      %dma_start3A_60 = tpu.memref_slice %arg6[%mul3A_59] : memref<4096xf32, #tpu.memory_space<hbm>> -> memref<128xf32, #tpu.memory_space<hbm>>
      %dma_start3A_61 = tpu.memref_slice %arg6[%mul3A_59] : memref<4096xf32, #tpu.memory_space<hbm>> -> memref<128xf32, #tpu.memory_space<hbm>>
      tpu.enqueue_dma source(%arg11 : memref<128xf32, #tpu.memory_space<vmem>>) target(%dma_start3A_61 : memref<128xf32, #tpu.memory_space<hbm>>) target_semaphore(%run_scoped3A : memref<!tpu.dma_semaphore, #tpu.memory_space<semaphore_mem>>)
      %dma_wait3A_62 = tpu.memref_slice %arg6[%mul3A_59] : memref<4096xf32, #tpu.memory_space<hbm>> -> memref<128xf32, #tpu.memory_space<hbm>>
      %dma_wait3A_63 = tpu.memref_slice %arg6[%mul3A_59] : memref<4096xf32, #tpu.memory_space<hbm>> -> memref<128xf32, #tpu.memory_space<hbm>>
      tpu.wait_dma2 semaphore(%run_scoped3A : memref<!tpu.dma_semaphore, #tpu.memory_space<semaphore_mem>>) src(%arg11 : memref<128xf32, #tpu.memory_space<vmem>>) dst(%dma_wait3A_63 : memref<128xf32, #tpu.memory_space<hbm>>)
      tpu.yield
    }) : () -> ()
    return
  }
}

module attributes {stable_mosaic.version = 14 : i64} {
  func.func @body(%arg0: i32, %arg1: memref<128x1024xf32, #tpu.memory_space<vmem>>, %arg2: memref<2x64xf32, #tpu.memory_space<vmem>>, %arg3: memref<2x64xf32, #tpu.memory_space<vmem>>, %arg4: memref<2x64xf32, #tpu.memory_space<vmem>>, %arg5: memref<128x1024xf32, #tpu.memory_space<vmem>>, %arg6: memref<1024x128xf32, #tpu.memory_space<vmem>>, %arg7: memref<128x64xi32, #tpu.memory_space<vmem>>, %arg8: memref<1024x64xi32, #tpu.memory_space<vmem>>, %arg9: memref<2x64xf32, #tpu.memory_space<vmem>>, %arg10: memref<2xf32, #tpu.memory_space<smem>>, %arg11: memref<1x1024xf32, #tpu.memory_space<vmem>>) attributes {dimension_semantics = [#tpu.dimension_semantics<arbitrary>], iteration_bounds = array<i64: 8>, scalar_prefetch = 0 : i64, scratch_operands = 1 : i64, tpu.core_type = #tpu.core_type<tc>, window_params = [{transform_indices = @transform_0, window_bounds = array<i64: 128, 1024>}, {pipeline_mode = #tpu.pipeline_mode<synchronous>, transform_indices = @transform_1, window_bounds = array<i64: 2, 64>}, {pipeline_mode = #tpu.pipeline_mode<synchronous>, transform_indices = @transform_2, window_bounds = array<i64: 2, 64>}, {pipeline_mode = #tpu.pipeline_mode<synchronous>, transform_indices = @transform_3, window_bounds = array<i64: 2, 64>}, {transform_indices = @transform_4, window_bounds = array<i64: 128, 1024>}, {transform_indices = @transform_5, window_bounds = array<i64: 1024, 128>}, {transform_indices = @transform_6, window_bounds = array<i64: 128, 64>}, {pipeline_mode = #tpu.pipeline_mode<synchronous>, transform_indices = @transform_7, window_bounds = array<i64: 1024, 64>}, {pipeline_mode = #tpu.pipeline_mode<synchronous>, transform_indices = @transform_8, window_bounds = array<i64: 2, 64>}, {transform_indices = @transform_9, window_bounds = array<i64: 2>}]} {
    %get3A = arith.constant 0 : index
    %get3A_0 = arith.constant 0 : index
    %get3A_1 = vector.load %arg1[%get3A, %get3A_0] : memref<128x1024xf32, #tpu.memory_space<vmem>>, vector<128x1024xf32>
    %iota3A = tpu.iota {dimensions = array<i32: 1>} : vector<128x1024xi32>
    %roll3A = arith.constant 1 : i32
    %roll3A_2 = tpu.dynamic_rotate %get3A_1 by %roll3A dim 1 : vector<128x1024xf32>, i32 -> vector<128x1024xf32>
    %ge3A = arith.constant 1 : i32
    %ge3A_3 = vector.broadcast %ge3A : i32 to vector<128x1024xi32>
    %ge3A_4 = arith.cmpi sge, %iota3A, %ge3A_3 : vector<128x1024xi32>
    %jit3A = arith.constant 0.000000e+00 : f32
    %broadcast_in_dim3A = vector.broadcast %jit3A : f32 to vector<128x1024xf32>
    %select_n3A = arith.select %ge3A_4, %roll3A_2, %broadcast_in_dim3A : vector<128x1024xi1>, vector<128x1024xf32>
    %add3A = arith.addf %get3A_1, %select_n3A : vector<128x1024xf32>
    %roll3A_5 = arith.constant 2 : i32
    %roll3A_6 = tpu.dynamic_rotate %add3A by %roll3A_5 dim 1 : vector<128x1024xf32>, i32 -> vector<128x1024xf32>
    %ge3A_7 = arith.constant 2 : i32
    %ge3A_8 = vector.broadcast %ge3A_7 : i32 to vector<128x1024xi32>
    %ge3A_9 = arith.cmpi sge, %iota3A, %ge3A_8 : vector<128x1024xi32>
    %jit3A_10 = arith.constant 0.000000e+00 : f32
    %broadcast_in_dim3A_11 = vector.broadcast %jit3A_10 : f32 to vector<128x1024xf32>
    %select_n3A_12 = arith.select %ge3A_9, %roll3A_6, %broadcast_in_dim3A_11 : vector<128x1024xi1>, vector<128x1024xf32>
    %add3A_13 = arith.addf %add3A, %select_n3A_12 : vector<128x1024xf32>
    %roll3A_14 = arith.constant 4 : i32
    %roll3A_15 = tpu.dynamic_rotate %add3A_13 by %roll3A_14 dim 1 : vector<128x1024xf32>, i32 -> vector<128x1024xf32>
    %ge3A_16 = arith.constant 4 : i32
    %ge3A_17 = vector.broadcast %ge3A_16 : i32 to vector<128x1024xi32>
    %ge3A_18 = arith.cmpi sge, %iota3A, %ge3A_17 : vector<128x1024xi32>
    %jit3A_19 = arith.constant 0.000000e+00 : f32
    %broadcast_in_dim3A_20 = vector.broadcast %jit3A_19 : f32 to vector<128x1024xf32>
    %select_n3A_21 = arith.select %ge3A_18, %roll3A_15, %broadcast_in_dim3A_20 : vector<128x1024xi1>, vector<128x1024xf32>
    %add3A_22 = arith.addf %add3A_13, %select_n3A_21 : vector<128x1024xf32>
    %roll3A_23 = arith.constant 8 : i32
    %roll3A_24 = tpu.dynamic_rotate %add3A_22 by %roll3A_23 dim 1 : vector<128x1024xf32>, i32 -> vector<128x1024xf32>
    %ge3A_25 = arith.constant 8 : i32
    %ge3A_26 = vector.broadcast %ge3A_25 : i32 to vector<128x1024xi32>
    %ge3A_27 = arith.cmpi sge, %iota3A, %ge3A_26 : vector<128x1024xi32>
    %jit3A_28 = arith.constant 0.000000e+00 : f32
    %broadcast_in_dim3A_29 = vector.broadcast %jit3A_28 : f32 to vector<128x1024xf32>
    %select_n3A_30 = arith.select %ge3A_27, %roll3A_24, %broadcast_in_dim3A_29 : vector<128x1024xi1>, vector<128x1024xf32>
    %add3A_31 = arith.addf %add3A_22, %select_n3A_30 : vector<128x1024xf32>
    %roll3A_32 = arith.constant 16 : i32
    %roll3A_33 = tpu.dynamic_rotate %add3A_31 by %roll3A_32 dim 1 : vector<128x1024xf32>, i32 -> vector<128x1024xf32>
    %ge3A_34 = arith.constant 16 : i32
    %ge3A_35 = vector.broadcast %ge3A_34 : i32 to vector<128x1024xi32>
    %ge3A_36 = arith.cmpi sge, %iota3A, %ge3A_35 : vector<128x1024xi32>
    %jit3A_37 = arith.constant 0.000000e+00 : f32
    %broadcast_in_dim3A_38 = vector.broadcast %jit3A_37 : f32 to vector<128x1024xf32>
    %select_n3A_39 = arith.select %ge3A_36, %roll3A_33, %broadcast_in_dim3A_38 : vector<128x1024xi1>, vector<128x1024xf32>
    %add3A_40 = arith.addf %add3A_31, %select_n3A_39 : vector<128x1024xf32>
    %roll3A_41 = arith.constant 32 : i32
    %roll3A_42 = tpu.dynamic_rotate %add3A_40 by %roll3A_41 dim 1 : vector<128x1024xf32>, i32 -> vector<128x1024xf32>
    %ge3A_43 = arith.constant 32 : i32
    %ge3A_44 = vector.broadcast %ge3A_43 : i32 to vector<128x1024xi32>
    %ge3A_45 = arith.cmpi sge, %iota3A, %ge3A_44 : vector<128x1024xi32>
    %jit3A_46 = arith.constant 0.000000e+00 : f32
    %broadcast_in_dim3A_47 = vector.broadcast %jit3A_46 : f32 to vector<128x1024xf32>
    %select_n3A_48 = arith.select %ge3A_45, %roll3A_42, %broadcast_in_dim3A_47 : vector<128x1024xi1>, vector<128x1024xf32>
    %add3A_49 = arith.addf %add3A_40, %select_n3A_48 : vector<128x1024xf32>
    %roll3A_50 = arith.constant 64 : i32
    %roll3A_51 = tpu.dynamic_rotate %add3A_49 by %roll3A_50 dim 1 : vector<128x1024xf32>, i32 -> vector<128x1024xf32>
    %ge3A_52 = arith.constant 64 : i32
    %ge3A_53 = vector.broadcast %ge3A_52 : i32 to vector<128x1024xi32>
    %ge3A_54 = arith.cmpi sge, %iota3A, %ge3A_53 : vector<128x1024xi32>
    %jit3A_55 = arith.constant 0.000000e+00 : f32
    %broadcast_in_dim3A_56 = vector.broadcast %jit3A_55 : f32 to vector<128x1024xf32>
    %select_n3A_57 = arith.select %ge3A_54, %roll3A_51, %broadcast_in_dim3A_56 : vector<128x1024xi1>, vector<128x1024xf32>
    %add3A_58 = arith.addf %add3A_49, %select_n3A_57 : vector<128x1024xf32>
    %roll3A_59 = arith.constant 128 : i32
    %roll3A_60 = tpu.dynamic_rotate %add3A_58 by %roll3A_59 dim 1 : vector<128x1024xf32>, i32 -> vector<128x1024xf32>
    %ge3A_61 = arith.constant 128 : i32
    %ge3A_62 = vector.broadcast %ge3A_61 : i32 to vector<128x1024xi32>
    %ge3A_63 = arith.cmpi sge, %iota3A, %ge3A_62 : vector<128x1024xi32>
    %jit3A_64 = arith.constant 0.000000e+00 : f32
    %broadcast_in_dim3A_65 = vector.broadcast %jit3A_64 : f32 to vector<128x1024xf32>
    %select_n3A_66 = arith.select %ge3A_63, %roll3A_60, %broadcast_in_dim3A_65 : vector<128x1024xi1>, vector<128x1024xf32>
    %add3A_67 = arith.addf %add3A_58, %select_n3A_66 : vector<128x1024xf32>
    %roll3A_68 = arith.constant 256 : i32
    %roll3A_69 = tpu.dynamic_rotate %add3A_67 by %roll3A_68 dim 1 : vector<128x1024xf32>, i32 -> vector<128x1024xf32>
    %ge3A_70 = arith.constant 256 : i32
    %ge3A_71 = vector.broadcast %ge3A_70 : i32 to vector<128x1024xi32>
    %ge3A_72 = arith.cmpi sge, %iota3A, %ge3A_71 : vector<128x1024xi32>
    %jit3A_73 = arith.constant 0.000000e+00 : f32
    %broadcast_in_dim3A_74 = vector.broadcast %jit3A_73 : f32 to vector<128x1024xf32>
    %select_n3A_75 = arith.select %ge3A_72, %roll3A_69, %broadcast_in_dim3A_74 : vector<128x1024xi1>, vector<128x1024xf32>
    %add3A_76 = arith.addf %add3A_67, %select_n3A_75 : vector<128x1024xf32>
    %roll3A_77 = arith.constant 512 : i32
    %roll3A_78 = tpu.dynamic_rotate %add3A_76 by %roll3A_77 dim 1 : vector<128x1024xf32>, i32 -> vector<128x1024xf32>
    %ge3A_79 = arith.constant 512 : i32
    %ge3A_80 = vector.broadcast %ge3A_79 : i32 to vector<128x1024xi32>
    %ge3A_81 = arith.cmpi sge, %iota3A, %ge3A_80 : vector<128x1024xi32>
    %jit3A_82 = arith.constant 0.000000e+00 : f32
    %broadcast_in_dim3A_83 = vector.broadcast %jit3A_82 : f32 to vector<128x1024xf32>
    %select_n3A_84 = arith.select %ge3A_81, %roll3A_78, %broadcast_in_dim3A_83 : vector<128x1024xi1>, vector<128x1024xf32>
    %add3A_85 = arith.addf %add3A_76, %select_n3A_84 : vector<128x1024xf32>
    %swap3A = arith.constant 0 : index
    %swap3A_86 = arith.constant 0 : index
    %swap3A_87 = vector.load %arg5[%swap3A, %swap3A_86] : memref<128x1024xf32, #tpu.memory_space<vmem>>, vector<128x1024xf32>
    tpu.vector_store %arg5[%swap3A, %swap3A_86], %add3A_85 {strides = array<i32>} : memref<128x1024xf32, #tpu.memory_space<vmem>>, vector<128x1024xf32>,
    %eq3A = arith.constant 0 : i32
    %eq3A_88 = arith.cmpi eq, %arg0, %eq3A : i32
    %convert_element_type3A = arith.extui %eq3A_88 : i1 to i32
    %cond3A = arith.constant 0 : i32
    %cond3A_89 = arith.cmpi ne, %convert_element_type3A, %cond3A : i32
    scf.if %cond3A_89 {
      %broadcast_in_dim3A_224 = arith.constant 0.000000e+00 : f32
      %broadcast_in_dim3A_225 = vector.broadcast %broadcast_in_dim3A_224 : f32 to vector<1x1024xf32>
      %swap3A_226 = arith.constant 0 : index
      %swap3A_227 = arith.constant 0 : index
      %swap3A_228 = vector.load %arg11[%swap3A_226, %swap3A_227] : memref<1x1024xf32, #tpu.memory_space<vmem>>, vector<1x1024xf32>
      tpu.vector_store %arg11[%swap3A_226, %swap3A_227], %broadcast_in_dim3A_225 {strides = array<i32>} : memref<1x1024xf32, #tpu.memory_space<vmem>>, vector<1x1024xf32>,
      %swap3A_229 = arith.constant 0x7F800000 : f32
      %swap3A_230 = arith.constant 0 : index
      %swap3A_231 = memref.load %arg10[%swap3A_230] : memref<2xf32, #tpu.memory_space<smem>>
      memref.store %swap3A_229, %arg10[%swap3A_230] : memref<2xf32, #tpu.memory_space<smem>>
      %swap3A_232 = arith.constant 0.000000e+00 : f32
      %swap3A_233 = arith.constant 1 : index
      %swap3A_234 = memref.load %arg10[%swap3A_233] : memref<2xf32, #tpu.memory_space<smem>>
      memref.store %swap3A_232, %arg10[%swap3A_233] : memref<2xf32, #tpu.memory_space<smem>>
      %iota3A_235 = tpu.iota {dimensions = array<i32: 0>} : vector<1024x1xi32>
      %convert_element_type3A_236 = arith.sitofp %iota3A_235 : vector<1024x1xi32> to vector<1024x1xf32>
      %get3A_237 = arith.constant 1 : index
      %get3A_238 = arith.constant 0 : index
      %get3A_239 = vector.load %arg2[%get3A_237, %get3A_238] : memref<2x64xf32, #tpu.memory_space<vmem>>, vector<1x64xf32>
      %get3A_240 = arith.constant 1 : index
      %get3A_241 = arith.constant 0 : index
      %get3A_242 = vector.load %arg3[%get3A_240, %get3A_241] : memref<2x64xf32, #tpu.memory_space<vmem>>, vector<1x64xf32>
      %mul3A_243 = vector.broadcast %convert_element_type3A_236 : vector<1024x1xf32> to vector<1024x64xf32>
      %mul3A_244 = vector.broadcast %get3A_242 : vector<1x64xf32> to vector<1024x64xf32>
      %mul3A_245 = arith.mulf %mul3A_243, %mul3A_244 : vector<1024x64xf32>
      %sub3A_246 = vector.broadcast %get3A_239 : vector<1x64xf32> to vector<1024x64xf32>
      %sub3A_247 = arith.subf %sub3A_246, %mul3A_245 : vector<1024x64xf32>
      %get3A_248 = arith.constant 1 : index
      %get3A_249 = arith.constant 0 : index
      %get3A_250 = vector.load %arg4[%get3A_248, %get3A_249] : memref<2x64xf32, #tpu.memory_space<vmem>>, vector<1x64xf32>
      %div3A_251 = vector.broadcast %get3A_250 : vector<1x64xf32> to vector<1024x64xf32>
      %div3A_252 = arith.divf %sub3A_247, %div3A_251 : vector<1024x64xf32>
      %round3A_253 = math.roundeven %div3A_252 : vector<1024x64xf32>
      %jit3A_254 = arith.constant 0.000000e+00 : f32
      %jit3A_255 = arith.constant 1.023000e+03 : f32
      %max3A_256 = vector.broadcast %jit3A_254 : f32 to vector<1024x64xf32>
      %max3A_257 = arith.maximumf %max3A_256, %round3A_253 : vector<1024x64xf32>
      %min3A_258 = vector.broadcast %jit3A_255 : f32 to vector<1024x64xf32>
      %min3A_259 = arith.minimumf %min3A_258, %max3A_257 : vector<1024x64xf32>
      %convert_element_type3A_260 = arith.fptosi %min3A_259 : vector<1024x64xf32> to vector<1024x64xi32>
      %swap3A_261 = arith.constant 0 : index
      %swap3A_262 = arith.constant 0 : index
      %swap3A_263 = vector.load %arg8[%swap3A_261, %swap3A_262] : memref<1024x64xi32, #tpu.memory_space<vmem>>, vector<1024x64xi32>
      tpu.vector_store %arg8[%swap3A_261, %swap3A_262], %convert_element_type3A_260 {strides = array<i32>} : memref<1024x64xi32, #tpu.memory_space<vmem>>, vector<1024x64xi32>,
      %sub3A_264 = arith.constant 1.024000e+03 : f32
      %sub3A_265 = vector.broadcast %sub3A_264 : f32 to vector<1024x64xf32>
      %sub3A_266 = arith.subf %sub3A_265, %min3A_259 : vector<1024x64xf32>
      %reduce_sum3A_267 = arith.constant dense<0.000000e+00> : vector<64xf32>
      %reduce_sum3A_268 = vector.multi_reduction <add>, %sub3A_266, %reduce_sum3A_267 [0] : vector<1024x64xf32> to vector<64xf32>
      %broadcast_in_dim3A_269 = vector.shape_cast %reduce_sum3A_268 : vector<64xf32> to vector<1x64xf32>
      %swap3A_270 = arith.constant 1 : index
      %swap3A_271 = arith.constant 0 : index
      %swap3A_272 = vector.load %arg9[%swap3A_270, %swap3A_271] : memref<2x64xf32, #tpu.memory_space<vmem>>, vector<1x64xf32>
      tpu.vector_store %arg9[%swap3A_270, %swap3A_271], %broadcast_in_dim3A_269 {strides = array<i32>} : memref<2x64xf32, #tpu.memory_space<vmem>>, vector<1x64xf32>,
      %broadcast_in_dim3A_273 = arith.constant 0.000000e+00 : f32
      %broadcast_in_dim3A_274 = vector.broadcast %broadcast_in_dim3A_273 : f32 to vector<1x64xf32>
      %swap3A_275 = arith.constant 0 : index
      %swap3A_276 = arith.constant 0 : index
      %swap3A_277 = vector.load %arg9[%swap3A_275, %swap3A_276] : memref<2x64xf32, #tpu.memory_space<vmem>>, vector<1x64xf32>
      tpu.vector_store %arg9[%swap3A_275, %swap3A_276], %broadcast_in_dim3A_274 {strides = array<i32>} : memref<2x64xf32, #tpu.memory_space<vmem>>, vector<1x64xf32>,
    } else {
    }
    %iota3A_90 = tpu.iota {dimensions = array<i32: 0>} : vector<128x1024xi32>
    %roll3A_91 = arith.constant 1 : i32
    %roll3A_92 = tpu.dynamic_rotate %get3A_1 by %roll3A_91 dim 0 : vector<128x1024xf32>, i32 -> vector<128x1024xf32>
    %ge3A_93 = arith.constant 1 : i32
    %ge3A_94 = vector.broadcast %ge3A_93 : i32 to vector<128x1024xi32>
    %ge3A_95 = arith.cmpi sge, %iota3A_90, %ge3A_94 : vector<128x1024xi32>
    %jit3A_96 = arith.constant 0.000000e+00 : f32
    %broadcast_in_dim3A_97 = vector.broadcast %jit3A_96 : f32 to vector<128x1024xf32>
    %select_n3A_98 = arith.select %ge3A_95, %roll3A_92, %broadcast_in_dim3A_97 : vector<128x1024xi1>, vector<128x1024xf32>
    %add3A_99 = arith.addf %get3A_1, %select_n3A_98 : vector<128x1024xf32>
    %roll3A_100 = arith.constant 2 : i32
    %roll3A_101 = tpu.dynamic_rotate %add3A_99 by %roll3A_100 dim 0 : vector<128x1024xf32>, i32 -> vector<128x1024xf32>
    %ge3A_102 = arith.constant 2 : i32
    %ge3A_103 = vector.broadcast %ge3A_102 : i32 to vector<128x1024xi32>
    %ge3A_104 = arith.cmpi sge, %iota3A_90, %ge3A_103 : vector<128x1024xi32>
    %jit3A_105 = arith.constant 0.000000e+00 : f32
    %broadcast_in_dim3A_106 = vector.broadcast %jit3A_105 : f32 to vector<128x1024xf32>
    %select_n3A_107 = arith.select %ge3A_104, %roll3A_101, %broadcast_in_dim3A_106 : vector<128x1024xi1>, vector<128x1024xf32>
    %add3A_108 = arith.addf %add3A_99, %select_n3A_107 : vector<128x1024xf32>
    %roll3A_109 = arith.constant 4 : i32
    %roll3A_110 = tpu.dynamic_rotate %add3A_108 by %roll3A_109 dim 0 : vector<128x1024xf32>, i32 -> vector<128x1024xf32>
    %ge3A_111 = arith.constant 4 : i32
    %ge3A_112 = vector.broadcast %ge3A_111 : i32 to vector<128x1024xi32>
    %ge3A_113 = arith.cmpi sge, %iota3A_90, %ge3A_112 : vector<128x1024xi32>
    %jit3A_114 = arith.constant 0.000000e+00 : f32
    %broadcast_in_dim3A_115 = vector.broadcast %jit3A_114 : f32 to vector<128x1024xf32>
    %select_n3A_116 = arith.select %ge3A_113, %roll3A_110, %broadcast_in_dim3A_115 : vector<128x1024xi1>, vector<128x1024xf32>
    %add3A_117 = arith.addf %add3A_108, %select_n3A_116 : vector<128x1024xf32>
    %roll3A_118 = arith.constant 8 : i32
    %roll3A_119 = tpu.dynamic_rotate %add3A_117 by %roll3A_118 dim 0 : vector<128x1024xf32>, i32 -> vector<128x1024xf32>
    %ge3A_120 = arith.constant 8 : i32
    %ge3A_121 = vector.broadcast %ge3A_120 : i32 to vector<128x1024xi32>
    %ge3A_122 = arith.cmpi sge, %iota3A_90, %ge3A_121 : vector<128x1024xi32>
    %jit3A_123 = arith.constant 0.000000e+00 : f32
    %broadcast_in_dim3A_124 = vector.broadcast %jit3A_123 : f32 to vector<128x1024xf32>
    %select_n3A_125 = arith.select %ge3A_122, %roll3A_119, %broadcast_in_dim3A_124 : vector<128x1024xi1>, vector<128x1024xf32>
    %add3A_126 = arith.addf %add3A_117, %select_n3A_125 : vector<128x1024xf32>
    %roll3A_127 = arith.constant 16 : i32
    %roll3A_128 = tpu.dynamic_rotate %add3A_126 by %roll3A_127 dim 0 : vector<128x1024xf32>, i32 -> vector<128x1024xf32>
    %ge3A_129 = arith.constant 16 : i32
    %ge3A_130 = vector.broadcast %ge3A_129 : i32 to vector<128x1024xi32>
    %ge3A_131 = arith.cmpi sge, %iota3A_90, %ge3A_130 : vector<128x1024xi32>
    %jit3A_132 = arith.constant 0.000000e+00 : f32
    %broadcast_in_dim3A_133 = vector.broadcast %jit3A_132 : f32 to vector<128x1024xf32>
    %select_n3A_134 = arith.select %ge3A_131, %roll3A_128, %broadcast_in_dim3A_133 : vector<128x1024xi1>, vector<128x1024xf32>
    %add3A_135 = arith.addf %add3A_126, %select_n3A_134 : vector<128x1024xf32>
    %roll3A_136 = arith.constant 32 : i32
    %roll3A_137 = tpu.dynamic_rotate %add3A_135 by %roll3A_136 dim 0 : vector<128x1024xf32>, i32 -> vector<128x1024xf32>
    %ge3A_138 = arith.constant 32 : i32
    %ge3A_139 = vector.broadcast %ge3A_138 : i32 to vector<128x1024xi32>
    %ge3A_140 = arith.cmpi sge, %iota3A_90, %ge3A_139 : vector<128x1024xi32>
    %jit3A_141 = arith.constant 0.000000e+00 : f32
    %broadcast_in_dim3A_142 = vector.broadcast %jit3A_141 : f32 to vector<128x1024xf32>
    %select_n3A_143 = arith.select %ge3A_140, %roll3A_137, %broadcast_in_dim3A_142 : vector<128x1024xi1>, vector<128x1024xf32>
    %add3A_144 = arith.addf %add3A_135, %select_n3A_143 : vector<128x1024xf32>
    %roll3A_145 = arith.constant 64 : i32
    %roll3A_146 = tpu.dynamic_rotate %add3A_144 by %roll3A_145 dim 0 : vector<128x1024xf32>, i32 -> vector<128x1024xf32>
    %ge3A_147 = arith.constant 64 : i32
    %ge3A_148 = vector.broadcast %ge3A_147 : i32 to vector<128x1024xi32>
    %ge3A_149 = arith.cmpi sge, %iota3A_90, %ge3A_148 : vector<128x1024xi32>
    %jit3A_150 = arith.constant 0.000000e+00 : f32
    %broadcast_in_dim3A_151 = vector.broadcast %jit3A_150 : f32 to vector<128x1024xf32>
    %select_n3A_152 = arith.select %ge3A_149, %roll3A_146, %broadcast_in_dim3A_151 : vector<128x1024xi1>, vector<128x1024xf32>
    %add3A_153 = arith.addf %add3A_144, %select_n3A_152 : vector<128x1024xf32>
    %get3A_154 = arith.constant 0 : index
    %get3A_155 = arith.constant 0 : index
    %get3A_156 = vector.load %arg11[%get3A_154, %get3A_155] : memref<1x1024xf32, #tpu.memory_space<vmem>>, vector<1x1024xf32>
    %add3A_157 = vector.broadcast %get3A_156 : vector<1x1024xf32> to vector<128x1024xf32>
    %add3A_158 = arith.addf %add3A_153, %add3A_157 : vector<128x1024xf32>
    %slice3A = vector.extract_strided_slice %add3A_158 {offsets = [127, 0], sizes = [1, 1024], strides = [1, 1]} : vector<128x1024xf32> to vector<1x1024xf32>
    %swap3A_159 = arith.constant 0 : index
    %swap3A_160 = arith.constant 0 : index
    %swap3A_161 = vector.load %arg11[%swap3A_159, %swap3A_160] : memref<1x1024xf32, #tpu.memory_space<vmem>>, vector<1x1024xf32>
    tpu.vector_store %arg11[%swap3A_159, %swap3A_160], %slice3A {strides = array<i32>} : memref<1x1024xf32, #tpu.memory_space<vmem>>, vector<1x1024xf32>,
    %transpose3A = tpu.transpose %add3A_158, [1, 0] : vector<128x1024xf32> -> vector<1024x128xf32>
    %swap3A_162 = arith.constant 0 : index
    %swap3A_163 = arith.constant 0 : index
    %swap3A_164 = vector.load %arg6[%swap3A_162, %swap3A_163] : memref<1024x128xf32, #tpu.memory_space<vmem>>, vector<1024x128xf32>
    tpu.vector_store %arg6[%swap3A_162, %swap3A_163], %transpose3A {strides = array<i32>} : memref<1024x128xf32, #tpu.memory_space<vmem>>, vector<1024x128xf32>,
    %mul3A = arith.constant 128 : i32
    %mul3A_165 = arith.muli %arg0, %mul3A : i32
    %convert_element_type3A_166 = arith.sitofp %mul3A_165 : i32 to f32
    %iota3A_167 = tpu.iota {dimensions = array<i32: 0>} : vector<128x1xi32>
    %convert_element_type3A_168 = arith.sitofp %iota3A_167 : vector<128x1xi32> to vector<128x1xf32>
    %add3A_169 = vector.broadcast %convert_element_type3A_166 : f32 to vector<128x1xf32>
    %add3A_170 = arith.addf %add3A_169, %convert_element_type3A_168 : vector<128x1xf32>
    %get3A_171 = arith.constant 0 : index
    %get3A_172 = arith.constant 0 : index
    %get3A_173 = vector.load %arg2[%get3A_171, %get3A_172] : memref<2x64xf32, #tpu.memory_space<vmem>>, vector<1x64xf32>
    %get3A_174 = arith.constant 0 : index
    %get3A_175 = arith.constant 0 : index
    %get3A_176 = vector.load %arg3[%get3A_174, %get3A_175] : memref<2x64xf32, #tpu.memory_space<vmem>>, vector<1x64xf32>
    %mul3A_177 = vector.broadcast %add3A_170 : vector<128x1xf32> to vector<128x64xf32>
    %mul3A_178 = vector.broadcast %get3A_176 : vector<1x64xf32> to vector<128x64xf32>
    %mul3A_179 = arith.mulf %mul3A_177, %mul3A_178 : vector<128x64xf32>
    %sub3A = vector.broadcast %get3A_173 : vector<1x64xf32> to vector<128x64xf32>
    %sub3A_180 = arith.subf %sub3A, %mul3A_179 : vector<128x64xf32>
    %get3A_181 = arith.constant 0 : index
    %get3A_182 = arith.constant 0 : index
    %get3A_183 = vector.load %arg4[%get3A_181, %get3A_182] : memref<2x64xf32, #tpu.memory_space<vmem>>, vector<1x64xf32>
    %div3A = vector.broadcast %get3A_183 : vector<1x64xf32> to vector<128x64xf32>
    %div3A_184 = arith.divf %sub3A_180, %div3A : vector<128x64xf32>
    %round3A = math.roundeven %div3A_184 : vector<128x64xf32>
    %jit3A_185 = arith.constant 0.000000e+00 : f32
    %jit3A_186 = arith.constant 1.023000e+03 : f32
    %max3A = vector.broadcast %jit3A_185 : f32 to vector<128x64xf32>
    %max3A_187 = arith.maximumf %max3A, %round3A : vector<128x64xf32>
    %min3A = vector.broadcast %jit3A_186 : f32 to vector<128x64xf32>
    %min3A_188 = arith.minimumf %min3A, %max3A_187 : vector<128x64xf32>
    %convert_element_type3A_189 = arith.fptosi %min3A_188 : vector<128x64xf32> to vector<128x64xi32>
    %swap3A_190 = arith.constant 0 : index
    %swap3A_191 = arith.constant 0 : index
    %swap3A_192 = vector.load %arg7[%swap3A_190, %swap3A_191] : memref<128x64xi32, #tpu.memory_space<vmem>>, vector<128x64xi32>
    tpu.vector_store %arg7[%swap3A_190, %swap3A_191], %convert_element_type3A_189 {strides = array<i32>} : memref<128x64xi32, #tpu.memory_space<vmem>>, vector<128x64xi32>,
    %get3A_193 = arith.constant 0 : index
    %get3A_194 = arith.constant 0 : index
    %get3A_195 = vector.load %arg9[%get3A_193, %get3A_194] : memref<2x64xf32, #tpu.memory_space<vmem>>, vector<1x64xf32>
    %sub3A_196 = arith.constant 1.024000e+03 : f32
    %sub3A_197 = vector.broadcast %sub3A_196 : f32 to vector<128x64xf32>
    %sub3A_198 = arith.subf %sub3A_197, %min3A_188 : vector<128x64xf32>
    %reduce_sum3A = arith.constant dense<0.000000e+00> : vector<64xf32>
    %reduce_sum3A_199 = vector.multi_reduction <add>, %sub3A_198, %reduce_sum3A [0] : vector<128x64xf32> to vector<64xf32>
    %broadcast_in_dim3A_200 = vector.shape_cast %reduce_sum3A_199 : vector<64xf32> to vector<1x64xf32>
    %add3A_201 = arith.addf %get3A_195, %broadcast_in_dim3A_200 : vector<1x64xf32>
    %swap3A_202 = arith.constant 0 : index
    %swap3A_203 = arith.constant 0 : index
    %swap3A_204 = vector.load %arg9[%swap3A_202, %swap3A_203] : memref<2x64xf32, #tpu.memory_space<vmem>>, vector<1x64xf32>
    tpu.vector_store %arg9[%swap3A_202, %swap3A_203], %add3A_201 {strides = array<i32>} : memref<2x64xf32, #tpu.memory_space<vmem>>, vector<1x64xf32>,
    %get3A_205 = arith.constant 0 : index
    %get3A_206 = memref.load %arg10[%get3A_205] : memref<2xf32, #tpu.memory_space<smem>>
    %reduce_min3A = vector.shape_cast %get3A_1 : vector<128x1024xf32> to vector<1x128x1024xf32>
    %reduce_min3A_207 = arith.constant dense<0x7F800000> : vector<1xf32>
    %reduce_min3A_208 = vector.multi_reduction <minimumf>, %reduce_min3A, %reduce_min3A_207 [1, 2] : vector<1x128x1024xf32> to vector<1xf32>
    %reduce_min3A_209 = vector.shape_cast %reduce_min3A_208 : vector<1xf32> to vector<1x1x1xf32>
    %reduce_min3A_210 = vector.extract %reduce_min3A_209[0, 0, 0] : f32 from vector<1x1x1xf32>
    %min3A_211 = arith.minimumf %get3A_206, %reduce_min3A_210 : f32
    %swap3A_212 = arith.constant 0 : index
    %swap3A_213 = memref.load %arg10[%swap3A_212] : memref<2xf32, #tpu.memory_space<smem>>
    memref.store %min3A_211, %arg10[%swap3A_212] : memref<2xf32, #tpu.memory_space<smem>>
    %get3A_214 = arith.constant 1 : index
    %get3A_215 = memref.load %arg10[%get3A_214] : memref<2xf32, #tpu.memory_space<smem>>
    %reduce_sum3A_216 = vector.shape_cast %get3A_1 : vector<128x1024xf32> to vector<1x128x1024xf32>
    %reduce_sum3A_217 = arith.constant dense<0.000000e+00> : vector<1xf32>
    %reduce_sum3A_218 = vector.multi_reduction <add>, %reduce_sum3A_216, %reduce_sum3A_217 [1, 2] : vector<1x128x1024xf32> to vector<1xf32>
    %reduce_sum3A_219 = vector.shape_cast %reduce_sum3A_218 : vector<1xf32> to vector<1x1x1xf32>
    %reduce_sum3A_220 = vector.extract %reduce_sum3A_219[0, 0, 0] : f32 from vector<1x1x1xf32>
    %add3A_221 = arith.addf %get3A_215, %reduce_sum3A_220 : f32
    %swap3A_222 = arith.constant 1 : index
    %swap3A_223 = memref.load %arg10[%swap3A_222] : memref<2xf32, #tpu.memory_space<smem>>
    memref.store %add3A_221, %arg10[%swap3A_222] : memref<2xf32, #tpu.memory_space<smem>>
    return
  }
  func.func @transform_0(%arg0: i32) -> (i32, i32) {
    %c0_i32 = arith.constant 0 : i32
    %c0_i32_0 = arith.constant 0 : i32
    return %arg0, %c0_i32 : i32, i32
  }
  func.func @transform_1(%arg0: i32) -> (i32, i32) {
    %c0_i32 = arith.constant 0 : i32
    %c0_i32_0 = arith.constant 0 : i32
    %c0_i32_1 = arith.constant 0 : i32
    return %c0_i32, %c0_i32_0 : i32, i32
  }
  func.func @transform_2(%arg0: i32) -> (i32, i32) {
    %c0_i32 = arith.constant 0 : i32
    %c0_i32_0 = arith.constant 0 : i32
    %c0_i32_1 = arith.constant 0 : i32
    return %c0_i32, %c0_i32_0 : i32, i32
  }
  func.func @transform_3(%arg0: i32) -> (i32, i32) {
    %c0_i32 = arith.constant 0 : i32
    %c0_i32_0 = arith.constant 0 : i32
    %c0_i32_1 = arith.constant 0 : i32
    return %c0_i32, %c0_i32_0 : i32, i32
  }
  func.func @transform_4(%arg0: i32) -> (i32, i32) {
    %c0_i32 = arith.constant 0 : i32
    %c0_i32_0 = arith.constant 0 : i32
    return %arg0, %c0_i32 : i32, i32
  }
  func.func @transform_5(%arg0: i32) -> (i32, i32) {
    %c0_i32 = arith.constant 0 : i32
    %c0_i32_0 = arith.constant 0 : i32
    return %c0_i32, %arg0 : i32, i32
  }
  func.func @transform_6(%arg0: i32) -> (i32, i32) {
    %c0_i32 = arith.constant 0 : i32
    %c0_i32_0 = arith.constant 0 : i32
    return %arg0, %c0_i32 : i32, i32
  }
  func.func @transform_7(%arg0: i32) -> (i32, i32) {
    %c0_i32 = arith.constant 0 : i32
    %c0_i32_0 = arith.constant 0 : i32
    %c0_i32_1 = arith.constant 0 : i32
    return %c0_i32, %c0_i32_0 : i32, i32
  }
  func.func @transform_8(%arg0: i32) -> (i32, i32) {
    %c0_i32 = arith.constant 0 : i32
    %c0_i32_0 = arith.constant 0 : i32
    %c0_i32_1 = arith.constant 0 : i32
    return %c0_i32, %c0_i32_0 : i32, i32
  }
  func.func @transform_9(%arg0: i32) -> i32 {
    %c0_i32 = arith.constant 0 : i32
    %c0_i32_0 = arith.constant 0 : i32
    return %c0_i32 : i32
  }
}

module attributes {stable_mosaic.version = 14 : i64} {
  func.func @body(%arg0: memref<32x128xf32, #tpu.memory_space<vmem>>, %arg1: memref<2x64xf32, #tpu.memory_space<vmem>>, %arg2: memref<8x64xf32, #tpu.memory_space<vmem>>, %arg3: memref<2xf32, #tpu.memory_space<smem>>, %arg4: memref<4x2xf32, #tpu.memory_space<smem>>) attributes {dimension_semantics = [], scalar_prefetch = 0 : i64, scratch_operands = 0 : i64, tpu.core_type = #tpu.core_type<tc>} {
    %get3A = arith.constant 0 : index
    %get3A_0 = arith.constant 0 : index
    %get3A_1 = vector.load %arg0[%get3A, %get3A_0] : memref<32x128xf32, #tpu.memory_space<vmem>>, vector<32x128xf32>
    %reduce_sum3A = arith.constant dense<0.000000e+00> : vector<128xf32>
    %reduce_sum3A_2 = vector.multi_reduction <add>, %get3A_1, %reduce_sum3A [0] : vector<32x128xf32> to vector<128xf32>
    %broadcast_in_dim3A = vector.shape_cast %reduce_sum3A_2 : vector<128xf32> to vector<1x128xf32>
    %iota3A = tpu.iota {dimensions = array<i32: 1>} : vector<1x64xi32>
    %get3A_3 = arith.constant 0 : index
    %get3A_4 = memref.load %arg3[%get3A_3] : memref<2xf32, #tpu.memory_space<smem>>
    %get3A_5 = arith.constant 1 : index
    %get3A_6 = memref.load %arg3[%get3A_5] : memref<2xf32, #tpu.memory_space<smem>>
    %mul3A = arith.constant 0x49800000 : f32
    %mul3A_7 = arith.mulf %get3A_4, %mul3A : f32
    %sub3A = arith.subf %get3A_6, %mul3A_7 : f32
    %slice3A = vector.extract_strided_slice %broadcast_in_dim3A {offsets = [0, 0], sizes = [1, 64], strides = [1, 1]} : vector<1x128xf32> to vector<1x64xf32>
    %sub3A_8 = vector.broadcast %get3A_6 : f32 to vector<1x64xf32>
    %sub3A_9 = arith.subf %sub3A_8, %slice3A : vector<1x64xf32>
    %get3A_10 = arith.constant 0 : index
    %get3A_11 = arith.constant 0 : index
    %get3A_12 = vector.load %arg1[%get3A_10, %get3A_11] : memref<2x64xf32, #tpu.memory_space<vmem>>, vector<1x64xf32>
    %le3A = arith.constant 48 : i32
    %le3A_13 = vector.broadcast %le3A : i32 to vector<1x64xi32>
    %le3A_14 = arith.cmpi sle, %iota3A, %le3A_13 : vector<1x64xi32>
    %roll3A = arith.constant 63 : i32
    %roll3A_15 = tpu.dynamic_rotate %sub3A_9 by %roll3A dim 1 : vector<1x64xf32>, i32 -> vector<1x64xf32>
    %jit3A = arith.constant 0.000000e+00 : f32
    %broadcast_in_dim3A_16 = vector.broadcast %jit3A : f32 to vector<1x64xf32>
    %select_n3A = arith.select %le3A_14, %roll3A_15, %broadcast_in_dim3A_16 : vector<1x64xi1>, vector<1x64xf32>
    %le3A_17 = arith.constant 48 : i32
    %le3A_18 = vector.broadcast %le3A_17 : i32 to vector<1x64xi32>
    %le3A_19 = arith.cmpi sle, %iota3A, %le3A_18 : vector<1x64xi32>
    %roll3A_20 = arith.constant 63 : i32
    %roll3A_21 = tpu.dynamic_rotate %get3A_12 by %roll3A_20 dim 1 : vector<1x64xf32>, i32 -> vector<1x64xf32>
    %jit3A_22 = arith.constant 0.000000e+00 : f32
    %broadcast_in_dim3A_23 = vector.broadcast %jit3A_22 : f32 to vector<1x64xf32>
    %select_n3A_24 = arith.select %le3A_19, %roll3A_21, %broadcast_in_dim3A_23 : vector<1x64xi1>, vector<1x64xf32>
    %le3A_25 = arith.constant 49 : i32
    %le3A_26 = vector.broadcast %le3A_25 : i32 to vector<1x64xi32>
    %le3A_27 = arith.cmpi sle, %iota3A, %le3A_26 : vector<1x64xi32>
    %sub3A_28 = arith.subf %sub3A_9, %select_n3A : vector<1x64xf32>
    %jit3A_29 = arith.constant 0.000000e+00 : f32
    %broadcast_in_dim3A_30 = vector.broadcast %jit3A_29 : f32 to vector<1x64xf32>
    %select_n3A_31 = arith.select %le3A_27, %sub3A_28, %broadcast_in_dim3A_30 : vector<1x64xi1>, vector<1x64xf32>
    %le3A_32 = arith.constant 49 : i32
    %le3A_33 = vector.broadcast %le3A_32 : i32 to vector<1x64xi32>
    %le3A_34 = arith.cmpi sle, %iota3A, %le3A_33 : vector<1x64xi32>
    %sub3A_35 = arith.subf %get3A_12, %select_n3A_24 : vector<1x64xf32>
    %jit3A_36 = arith.constant 0.000000e+00 : f32
    %broadcast_in_dim3A_37 = vector.broadcast %jit3A_36 : f32 to vector<1x64xf32>
    %select_n3A_38 = arith.select %le3A_34, %sub3A_35, %broadcast_in_dim3A_37 : vector<1x64xi1>, vector<1x64xf32>
    %mul3A_39 = vector.broadcast %get3A_4 : f32 to vector<1x64xf32>
    %mul3A_40 = arith.mulf %mul3A_39, %select_n3A_38 : vector<1x64xf32>
    %sub3A_41 = arith.subf %select_n3A_31, %mul3A_40 : vector<1x64xf32>
    %div3A = vector.broadcast %sub3A : f32 to vector<1x64xf32>
    %div3A_42 = arith.divf %sub3A_41, %div3A : vector<1x64xf32>
    %slice3A_43 = vector.extract_strided_slice %broadcast_in_dim3A {offsets = [0, 64], sizes = [1, 64], strides = [1, 1]} : vector<1x128xf32> to vector<1x64xf32>
    %sub3A_44 = vector.broadcast %get3A_6 : f32 to vector<1x64xf32>
    %sub3A_45 = arith.subf %sub3A_44, %slice3A_43 : vector<1x64xf32>
    %get3A_46 = arith.constant 1 : index
    %get3A_47 = arith.constant 0 : index
    %get3A_48 = vector.load %arg1[%get3A_46, %get3A_47] : memref<2x64xf32, #tpu.memory_space<vmem>>, vector<1x64xf32>
    %le3A_49 = arith.constant 48 : i32
    %le3A_50 = vector.broadcast %le3A_49 : i32 to vector<1x64xi32>
    %le3A_51 = arith.cmpi sle, %iota3A, %le3A_50 : vector<1x64xi32>
    %roll3A_52 = arith.constant 63 : i32
    %roll3A_53 = tpu.dynamic_rotate %sub3A_45 by %roll3A_52 dim 1 : vector<1x64xf32>, i32 -> vector<1x64xf32>
    %jit3A_54 = arith.constant 0.000000e+00 : f32
    %broadcast_in_dim3A_55 = vector.broadcast %jit3A_54 : f32 to vector<1x64xf32>
    %select_n3A_56 = arith.select %le3A_51, %roll3A_53, %broadcast_in_dim3A_55 : vector<1x64xi1>, vector<1x64xf32>
    %le3A_57 = arith.constant 48 : i32
    %le3A_58 = vector.broadcast %le3A_57 : i32 to vector<1x64xi32>
    %le3A_59 = arith.cmpi sle, %iota3A, %le3A_58 : vector<1x64xi32>
    %roll3A_60 = arith.constant 63 : i32
    %roll3A_61 = tpu.dynamic_rotate %get3A_48 by %roll3A_60 dim 1 : vector<1x64xf32>, i32 -> vector<1x64xf32>
    %jit3A_62 = arith.constant 0.000000e+00 : f32
    %broadcast_in_dim3A_63 = vector.broadcast %jit3A_62 : f32 to vector<1x64xf32>
    %select_n3A_64 = arith.select %le3A_59, %roll3A_61, %broadcast_in_dim3A_63 : vector<1x64xi1>, vector<1x64xf32>
    %le3A_65 = arith.constant 49 : i32
    %le3A_66 = vector.broadcast %le3A_65 : i32 to vector<1x64xi32>
    %le3A_67 = arith.cmpi sle, %iota3A, %le3A_66 : vector<1x64xi32>
    %sub3A_68 = arith.subf %sub3A_45, %select_n3A_56 : vector<1x64xf32>
    %jit3A_69 = arith.constant 0.000000e+00 : f32
    %broadcast_in_dim3A_70 = vector.broadcast %jit3A_69 : f32 to vector<1x64xf32>
    %select_n3A_71 = arith.select %le3A_67, %sub3A_68, %broadcast_in_dim3A_70 : vector<1x64xi1>, vector<1x64xf32>
    %le3A_72 = arith.constant 49 : i32
    %le3A_73 = vector.broadcast %le3A_72 : i32 to vector<1x64xi32>
    %le3A_74 = arith.cmpi sle, %iota3A, %le3A_73 : vector<1x64xi32>
    %sub3A_75 = arith.subf %get3A_48, %select_n3A_64 : vector<1x64xf32>
    %jit3A_76 = arith.constant 0.000000e+00 : f32
    %broadcast_in_dim3A_77 = vector.broadcast %jit3A_76 : f32 to vector<1x64xf32>
    %select_n3A_78 = arith.select %le3A_74, %sub3A_75, %broadcast_in_dim3A_77 : vector<1x64xi1>, vector<1x64xf32>
    %mul3A_79 = vector.broadcast %get3A_4 : f32 to vector<1x64xf32>
    %mul3A_80 = arith.mulf %mul3A_79, %select_n3A_78 : vector<1x64xf32>
    %sub3A_81 = arith.subf %select_n3A_71, %mul3A_80 : vector<1x64xf32>
    %div3A_82 = vector.broadcast %sub3A : f32 to vector<1x64xf32>
    %div3A_83 = arith.divf %sub3A_81, %div3A_82 : vector<1x64xf32>
    %iota3A_84 = tpu.iota {dimensions = array<i32: 1>} : vector<1x64xi32>
    %roll3A_85 = arith.constant 1 : i32
    %roll3A_86 = tpu.dynamic_rotate %div3A_42 by %roll3A_85 dim 1 : vector<1x64xf32>, i32 -> vector<1x64xf32>
    %ge3A = arith.constant 1 : i32
    %ge3A_87 = vector.broadcast %ge3A : i32 to vector<1x64xi32>
    %ge3A_88 = arith.cmpi sge, %iota3A_84, %ge3A_87 : vector<1x64xi32>
    %jit3A_89 = arith.constant 0.000000e+00 : f32
    %broadcast_in_dim3A_90 = vector.broadcast %jit3A_89 : f32 to vector<1x64xf32>
    %select_n3A_91 = arith.select %ge3A_88, %roll3A_86, %broadcast_in_dim3A_90 : vector<1x64xi1>, vector<1x64xf32>
    %add3A = arith.addf %div3A_42, %select_n3A_91 : vector<1x64xf32>
    %roll3A_92 = arith.constant 2 : i32
    %roll3A_93 = tpu.dynamic_rotate %add3A by %roll3A_92 dim 1 : vector<1x64xf32>, i32 -> vector<1x64xf32>
    %ge3A_94 = arith.constant 2 : i32
    %ge3A_95 = vector.broadcast %ge3A_94 : i32 to vector<1x64xi32>
    %ge3A_96 = arith.cmpi sge, %iota3A_84, %ge3A_95 : vector<1x64xi32>
    %jit3A_97 = arith.constant 0.000000e+00 : f32
    %broadcast_in_dim3A_98 = vector.broadcast %jit3A_97 : f32 to vector<1x64xf32>
    %select_n3A_99 = arith.select %ge3A_96, %roll3A_93, %broadcast_in_dim3A_98 : vector<1x64xi1>, vector<1x64xf32>
    %add3A_100 = arith.addf %add3A, %select_n3A_99 : vector<1x64xf32>
    %roll3A_101 = arith.constant 4 : i32
    %roll3A_102 = tpu.dynamic_rotate %add3A_100 by %roll3A_101 dim 1 : vector<1x64xf32>, i32 -> vector<1x64xf32>
    %ge3A_103 = arith.constant 4 : i32
    %ge3A_104 = vector.broadcast %ge3A_103 : i32 to vector<1x64xi32>
    %ge3A_105 = arith.cmpi sge, %iota3A_84, %ge3A_104 : vector<1x64xi32>
    %jit3A_106 = arith.constant 0.000000e+00 : f32
    %broadcast_in_dim3A_107 = vector.broadcast %jit3A_106 : f32 to vector<1x64xf32>
    %select_n3A_108 = arith.select %ge3A_105, %roll3A_102, %broadcast_in_dim3A_107 : vector<1x64xi1>, vector<1x64xf32>
    %add3A_109 = arith.addf %add3A_100, %select_n3A_108 : vector<1x64xf32>
    %roll3A_110 = arith.constant 8 : i32
    %roll3A_111 = tpu.dynamic_rotate %add3A_109 by %roll3A_110 dim 1 : vector<1x64xf32>, i32 -> vector<1x64xf32>
    %ge3A_112 = arith.constant 8 : i32
    %ge3A_113 = vector.broadcast %ge3A_112 : i32 to vector<1x64xi32>
    %ge3A_114 = arith.cmpi sge, %iota3A_84, %ge3A_113 : vector<1x64xi32>
    %jit3A_115 = arith.constant 0.000000e+00 : f32
    %broadcast_in_dim3A_116 = vector.broadcast %jit3A_115 : f32 to vector<1x64xf32>
    %select_n3A_117 = arith.select %ge3A_114, %roll3A_111, %broadcast_in_dim3A_116 : vector<1x64xi1>, vector<1x64xf32>
    %add3A_118 = arith.addf %add3A_109, %select_n3A_117 : vector<1x64xf32>
    %roll3A_119 = arith.constant 16 : i32
    %roll3A_120 = tpu.dynamic_rotate %add3A_118 by %roll3A_119 dim 1 : vector<1x64xf32>, i32 -> vector<1x64xf32>
    %ge3A_121 = arith.constant 16 : i32
    %ge3A_122 = vector.broadcast %ge3A_121 : i32 to vector<1x64xi32>
    %ge3A_123 = arith.cmpi sge, %iota3A_84, %ge3A_122 : vector<1x64xi32>
    %jit3A_124 = arith.constant 0.000000e+00 : f32
    %broadcast_in_dim3A_125 = vector.broadcast %jit3A_124 : f32 to vector<1x64xf32>
    %select_n3A_126 = arith.select %ge3A_123, %roll3A_120, %broadcast_in_dim3A_125 : vector<1x64xi1>, vector<1x64xf32>
    %add3A_127 = arith.addf %add3A_118, %select_n3A_126 : vector<1x64xf32>
    %roll3A_128 = arith.constant 32 : i32
    %roll3A_129 = tpu.dynamic_rotate %add3A_127 by %roll3A_128 dim 1 : vector<1x64xf32>, i32 -> vector<1x64xf32>
    %ge3A_130 = arith.constant 32 : i32
    %ge3A_131 = vector.broadcast %ge3A_130 : i32 to vector<1x64xi32>
    %ge3A_132 = arith.cmpi sge, %iota3A_84, %ge3A_131 : vector<1x64xi32>
    %jit3A_133 = arith.constant 0.000000e+00 : f32
    %broadcast_in_dim3A_134 = vector.broadcast %jit3A_133 : f32 to vector<1x64xf32>
    %select_n3A_135 = arith.select %ge3A_132, %roll3A_129, %broadcast_in_dim3A_134 : vector<1x64xi1>, vector<1x64xf32>
    %add3A_136 = arith.addf %add3A_127, %select_n3A_135 : vector<1x64xf32>
    %reduce_sum3A_137 = vector.shape_cast %div3A_42 : vector<1x64xf32> to vector<1x1x64xf32>
    %reduce_sum3A_138 = arith.constant dense<0.000000e+00> : vector<1xf32>
    %reduce_sum3A_139 = vector.multi_reduction <add>, %reduce_sum3A_137, %reduce_sum3A_138 [1, 2] : vector<1x1x64xf32> to vector<1xf32>
    %reduce_sum3A_140 = vector.shape_cast %reduce_sum3A_139 : vector<1xf32> to vector<1x1x1xf32>
    %reduce_sum3A_141 = vector.extract %reduce_sum3A_140[0, 0, 0] : f32 from vector<1x1x1xf32>
    %div3A_142 = vector.broadcast %reduce_sum3A_141 : f32 to vector<1x64xf32>
    %div3A_143 = arith.divf %add3A_136, %div3A_142 : vector<1x64xf32>
    %le3A_144 = arith.constant 49 : i32
    %le3A_145 = vector.broadcast %le3A_144 : i32 to vector<1x64xi32>
    %le3A_146 = arith.cmpi sle, %iota3A, %le3A_145 : vector<1x64xi32>
    %ge3A_147 = arith.constant 0.00999999977 : f32
    %ge3A_148 = vector.broadcast %ge3A_147 : f32 to vector<1x64xf32>
    %ge3A_149 = arith.cmpf oge, %div3A_143, %ge3A_148 : vector<1x64xf32>
    %and3A = arith.andi %ge3A_149, %le3A_146 : vector<1x64xi1>
    %jit3A_150 = arith.constant 1048576 : i32
    %broadcast_in_dim3A_151 = vector.broadcast %jit3A_150 : i32 to vector<1x64xi32>
    %select_n3A_152 = arith.select %and3A, %iota3A, %broadcast_in_dim3A_151 : vector<1x64xi1>, vector<1x64xi32>
    %reduce_min3A = vector.shape_cast %select_n3A_152 : vector<1x64xi32> to vector<1x1x64xi32>
    %reduce_min3A_153 = arith.constant dense<2147483647> : vector<1xi32>
    %reduce_min3A_154 = vector.multi_reduction <minsi>, %reduce_min3A, %reduce_min3A_153 [1, 2] : vector<1x1x64xi32> to vector<1xi32>
    %reduce_min3A_155 = vector.shape_cast %reduce_min3A_154 : vector<1xi32> to vector<1x1x1xi32>
    %reduce_min3A_156 = vector.extract %reduce_min3A_155[0, 0, 0] : i32 from vector<1x1x1xi32>
    %le3A_157 = arith.constant 9.900000e-01 : f32
    %le3A_158 = vector.broadcast %le3A_157 : f32 to vector<1x64xf32>
    %le3A_159 = arith.cmpf ole, %div3A_143, %le3A_158 : vector<1x64xf32>
    %and3A_160 = arith.andi %le3A_159, %le3A_146 : vector<1x64xi1>
    %neg3A = arith.constant 0 : i32
    %neg3A_161 = arith.constant 1048576 : i32
    %neg3A_162 = arith.subi %neg3A, %neg3A_161 : i32
    %broadcast_in_dim3A_163 = vector.broadcast %neg3A_162 : i32 to vector<1x64xi32>
    %select_n3A_164 = arith.select %and3A_160, %iota3A, %broadcast_in_dim3A_163 : vector<1x64xi1>, vector<1x64xi32>
    %reduce_max3A = vector.shape_cast %select_n3A_164 : vector<1x64xi32> to vector<1x1x64xi32>
    %reduce_max3A_165 = arith.constant dense<-2147483648> : vector<1xi32>
    %reduce_max3A_166 = vector.multi_reduction <maxsi>, %reduce_max3A, %reduce_max3A_165 [1, 2] : vector<1x1x64xi32> to vector<1xi32>
    %reduce_max3A_167 = vector.shape_cast %reduce_max3A_166 : vector<1xi32> to vector<1x1x1xi32>
    %reduce_max3A_168 = vector.extract %reduce_max3A_167[0, 0, 0] : i32 from vector<1x1x1xi32>
    %ge3A_169 = arith.constant 0 : i32
    %ge3A_170 = arith.cmpi sge, %reduce_max3A_168, %ge3A_169 : i32
    %add3A_171 = arith.constant 2 : i32
    %add3A_172 = arith.addi %reduce_max3A_168, %add3A_171 : i32
    %jit3A_173 = arith.constant 51 : i32
    %select_n3A_174 = arith.select %ge3A_170, %add3A_172, %jit3A_173 : i32
    %iota3A_175 = tpu.iota {dimensions = array<i32: 1>} : vector<1x64xi32>
    %roll3A_176 = arith.constant 1 : i32
    %roll3A_177 = tpu.dynamic_rotate %div3A_83 by %roll3A_176 dim 1 : vector<1x64xf32>, i32 -> vector<1x64xf32>
    %ge3A_178 = arith.constant 1 : i32
    %ge3A_179 = vector.broadcast %ge3A_178 : i32 to vector<1x64xi32>
    %ge3A_180 = arith.cmpi sge, %iota3A_175, %ge3A_179 : vector<1x64xi32>
    %jit3A_181 = arith.constant 0.000000e+00 : f32
    %broadcast_in_dim3A_182 = vector.broadcast %jit3A_181 : f32 to vector<1x64xf32>
    %select_n3A_183 = arith.select %ge3A_180, %roll3A_177, %broadcast_in_dim3A_182 : vector<1x64xi1>, vector<1x64xf32>
    %add3A_184 = arith.addf %div3A_83, %select_n3A_183 : vector<1x64xf32>
    %roll3A_185 = arith.constant 2 : i32
    %roll3A_186 = tpu.dynamic_rotate %add3A_184 by %roll3A_185 dim 1 : vector<1x64xf32>, i32 -> vector<1x64xf32>
    %ge3A_187 = arith.constant 2 : i32
    %ge3A_188 = vector.broadcast %ge3A_187 : i32 to vector<1x64xi32>
    %ge3A_189 = arith.cmpi sge, %iota3A_175, %ge3A_188 : vector<1x64xi32>
    %jit3A_190 = arith.constant 0.000000e+00 : f32
    %broadcast_in_dim3A_191 = vector.broadcast %jit3A_190 : f32 to vector<1x64xf32>
    %select_n3A_192 = arith.select %ge3A_189, %roll3A_186, %broadcast_in_dim3A_191 : vector<1x64xi1>, vector<1x64xf32>
    %add3A_193 = arith.addf %add3A_184, %select_n3A_192 : vector<1x64xf32>
    %roll3A_194 = arith.constant 4 : i32
    %roll3A_195 = tpu.dynamic_rotate %add3A_193 by %roll3A_194 dim 1 : vector<1x64xf32>, i32 -> vector<1x64xf32>
    %ge3A_196 = arith.constant 4 : i32
    %ge3A_197 = vector.broadcast %ge3A_196 : i32 to vector<1x64xi32>
    %ge3A_198 = arith.cmpi sge, %iota3A_175, %ge3A_197 : vector<1x64xi32>
    %jit3A_199 = arith.constant 0.000000e+00 : f32
    %broadcast_in_dim3A_200 = vector.broadcast %jit3A_199 : f32 to vector<1x64xf32>
    %select_n3A_201 = arith.select %ge3A_198, %roll3A_195, %broadcast_in_dim3A_200 : vector<1x64xi1>, vector<1x64xf32>
    %add3A_202 = arith.addf %add3A_193, %select_n3A_201 : vector<1x64xf32>
    %roll3A_203 = arith.constant 8 : i32
    %roll3A_204 = tpu.dynamic_rotate %add3A_202 by %roll3A_203 dim 1 : vector<1x64xf32>, i32 -> vector<1x64xf32>
    %ge3A_205 = arith.constant 8 : i32
    %ge3A_206 = vector.broadcast %ge3A_205 : i32 to vector<1x64xi32>
    %ge3A_207 = arith.cmpi sge, %iota3A_175, %ge3A_206 : vector<1x64xi32>
    %jit3A_208 = arith.constant 0.000000e+00 : f32
    %broadcast_in_dim3A_209 = vector.broadcast %jit3A_208 : f32 to vector<1x64xf32>
    %select_n3A_210 = arith.select %ge3A_207, %roll3A_204, %broadcast_in_dim3A_209 : vector<1x64xi1>, vector<1x64xf32>
    %add3A_211 = arith.addf %add3A_202, %select_n3A_210 : vector<1x64xf32>
    %roll3A_212 = arith.constant 16 : i32
    %roll3A_213 = tpu.dynamic_rotate %add3A_211 by %roll3A_212 dim 1 : vector<1x64xf32>, i32 -> vector<1x64xf32>
    %ge3A_214 = arith.constant 16 : i32
    %ge3A_215 = vector.broadcast %ge3A_214 : i32 to vector<1x64xi32>
    %ge3A_216 = arith.cmpi sge, %iota3A_175, %ge3A_215 : vector<1x64xi32>
    %jit3A_217 = arith.constant 0.000000e+00 : f32
    %broadcast_in_dim3A_218 = vector.broadcast %jit3A_217 : f32 to vector<1x64xf32>
    %select_n3A_219 = arith.select %ge3A_216, %roll3A_213, %broadcast_in_dim3A_218 : vector<1x64xi1>, vector<1x64xf32>
    %add3A_220 = arith.addf %add3A_211, %select_n3A_219 : vector<1x64xf32>
    %roll3A_221 = arith.constant 32 : i32
    %roll3A_222 = tpu.dynamic_rotate %add3A_220 by %roll3A_221 dim 1 : vector<1x64xf32>, i32 -> vector<1x64xf32>
    %ge3A_223 = arith.constant 32 : i32
    %ge3A_224 = vector.broadcast %ge3A_223 : i32 to vector<1x64xi32>
    %ge3A_225 = arith.cmpi sge, %iota3A_175, %ge3A_224 : vector<1x64xi32>
    %jit3A_226 = arith.constant 0.000000e+00 : f32
    %broadcast_in_dim3A_227 = vector.broadcast %jit3A_226 : f32 to vector<1x64xf32>
    %select_n3A_228 = arith.select %ge3A_225, %roll3A_222, %broadcast_in_dim3A_227 : vector<1x64xi1>, vector<1x64xf32>
    %add3A_229 = arith.addf %add3A_220, %select_n3A_228 : vector<1x64xf32>
    %reduce_sum3A_230 = vector.shape_cast %div3A_83 : vector<1x64xf32> to vector<1x1x64xf32>
    %reduce_sum3A_231 = arith.constant dense<0.000000e+00> : vector<1xf32>
    %reduce_sum3A_232 = vector.multi_reduction <add>, %reduce_sum3A_230, %reduce_sum3A_231 [1, 2] : vector<1x1x64xf32> to vector<1xf32>
    %reduce_sum3A_233 = vector.shape_cast %reduce_sum3A_232 : vector<1xf32> to vector<1x1x1xf32>
    %reduce_sum3A_234 = vector.extract %reduce_sum3A_233[0, 0, 0] : f32 from vector<1x1x1xf32>
    %div3A_235 = vector.broadcast %reduce_sum3A_234 : f32 to vector<1x64xf32>
    %div3A_236 = arith.divf %add3A_229, %div3A_235 : vector<1x64xf32>
    %le3A_237 = arith.constant 49 : i32
    %le3A_238 = vector.broadcast %le3A_237 : i32 to vector<1x64xi32>
    %le3A_239 = arith.cmpi sle, %iota3A, %le3A_238 : vector<1x64xi32>
    %ge3A_240 = arith.constant 0.00999999977 : f32
    %ge3A_241 = vector.broadcast %ge3A_240 : f32 to vector<1x64xf32>
    %ge3A_242 = arith.cmpf oge, %div3A_236, %ge3A_241 : vector<1x64xf32>
    %and3A_243 = arith.andi %ge3A_242, %le3A_239 : vector<1x64xi1>
    %jit3A_244 = arith.constant 1048576 : i32
    %broadcast_in_dim3A_245 = vector.broadcast %jit3A_244 : i32 to vector<1x64xi32>
    %select_n3A_246 = arith.select %and3A_243, %iota3A, %broadcast_in_dim3A_245 : vector<1x64xi1>, vector<1x64xi32>
    %reduce_min3A_247 = vector.shape_cast %select_n3A_246 : vector<1x64xi32> to vector<1x1x64xi32>
    %reduce_min3A_248 = arith.constant dense<2147483647> : vector<1xi32>
    %reduce_min3A_249 = vector.multi_reduction <minsi>, %reduce_min3A_247, %reduce_min3A_248 [1, 2] : vector<1x1x64xi32> to vector<1xi32>
    %reduce_min3A_250 = vector.shape_cast %reduce_min3A_249 : vector<1xi32> to vector<1x1x1xi32>
    %reduce_min3A_251 = vector.extract %reduce_min3A_250[0, 0, 0] : i32 from vector<1x1x1xi32>
    %le3A_252 = arith.constant 9.900000e-01 : f32
    %le3A_253 = vector.broadcast %le3A_252 : f32 to vector<1x64xf32>
    %le3A_254 = arith.cmpf ole, %div3A_236, %le3A_253 : vector<1x64xf32>
    %and3A_255 = arith.andi %le3A_254, %le3A_239 : vector<1x64xi1>
    %neg3A_256 = arith.constant 0 : i32
    %neg3A_257 = arith.constant 1048576 : i32
    %neg3A_258 = arith.subi %neg3A_256, %neg3A_257 : i32
    %broadcast_in_dim3A_259 = vector.broadcast %neg3A_258 : i32 to vector<1x64xi32>
    %select_n3A_260 = arith.select %and3A_255, %iota3A, %broadcast_in_dim3A_259 : vector<1x64xi1>, vector<1x64xi32>
    %reduce_max3A_261 = vector.shape_cast %select_n3A_260 : vector<1x64xi32> to vector<1x1x64xi32>
    %reduce_max3A_262 = arith.constant dense<-2147483648> : vector<1xi32>
    %reduce_max3A_263 = vector.multi_reduction <maxsi>, %reduce_max3A_261, %reduce_max3A_262 [1, 2] : vector<1x1x64xi32> to vector<1xi32>
    %reduce_max3A_264 = vector.shape_cast %reduce_max3A_263 : vector<1xi32> to vector<1x1x1xi32>
    %reduce_max3A_265 = vector.extract %reduce_max3A_264[0, 0, 0] : i32 from vector<1x1x1xi32>
    %ge3A_266 = arith.constant 0 : i32
    %ge3A_267 = arith.cmpi sge, %reduce_max3A_265, %ge3A_266 : i32
    %add3A_268 = arith.constant 2 : i32
    %add3A_269 = arith.addi %reduce_max3A_265, %add3A_268 : i32
    %jit3A_270 = arith.constant 51 : i32
    %select_n3A_271 = arith.select %ge3A_267, %add3A_269, %jit3A_270 : i32
    %eq3A = arith.constant 0 : i32
    %eq3A_272 = arith.cmpi eq, %reduce_min3A_156, %eq3A : i32
    %sub3A_273 = arith.constant 50 : i32
    %sub3A_274 = arith.subi %sub3A_273, %reduce_min3A_156 : i32
    %jit3A_275 = arith.constant 0 : i32
    %select_n3A_276 = arith.select %eq3A_272, %jit3A_275, %sub3A_274 : i32
    %jit3A_277 = arith.constant 0 : i32
    %jit3A_278 = arith.constant 49 : i32
    %max3A = arith.maxsi %jit3A_277, %select_n3A_276 : i32
    %min3A = arith.minsi %jit3A_278, %max3A : i32
    %eq3A_279 = vector.broadcast %min3A : i32 to vector<1x64xi32>
    %eq3A_280 = arith.cmpi eq, %iota3A, %eq3A_279 : vector<1x64xi32>
    %get3A_281 = arith.constant 0 : index
    %get3A_282 = arith.constant 0 : index
    %get3A_283 = vector.load %arg2[%get3A_281, %get3A_282] : memref<8x64xf32, #tpu.memory_space<vmem>>, vector<1x64xf32>
    %jit3A_284 = arith.constant 0.000000e+00 : f32
    %broadcast_in_dim3A_285 = vector.broadcast %jit3A_284 : f32 to vector<1x64xf32>
    %select_n3A_286 = arith.select %eq3A_280, %get3A_283, %broadcast_in_dim3A_285 : vector<1x64xi1>, vector<1x64xf32>
    %reduce_sum3A_287 = vector.shape_cast %select_n3A_286 : vector<1x64xf32> to vector<1x1x64xf32>
    %reduce_sum3A_288 = arith.constant dense<0.000000e+00> : vector<1xf32>
    %reduce_sum3A_289 = vector.multi_reduction <add>, %reduce_sum3A_287, %reduce_sum3A_288 [1, 2] : vector<1x1x64xf32> to vector<1xf32>
    %reduce_sum3A_290 = vector.shape_cast %reduce_sum3A_289 : vector<1xf32> to vector<1x1x1xf32>
    %reduce_sum3A_291 = vector.extract %reduce_sum3A_290[0, 0, 0] : f32 from vector<1x1x1xf32>
    %eq3A_292 = arith.constant 0 : i32
    %eq3A_293 = arith.cmpi eq, %reduce_min3A_156, %eq3A_292 : i32
    %sub3A_294 = arith.constant 50 : i32
    %sub3A_295 = arith.subi %sub3A_294, %reduce_min3A_156 : i32
    %jit3A_296 = arith.constant 0 : i32
    %select_n3A_297 = arith.select %eq3A_293, %jit3A_296, %sub3A_295 : i32
    %jit3A_298 = arith.constant 0 : i32
    %jit3A_299 = arith.constant 49 : i32
    %max3A_300 = arith.maxsi %jit3A_298, %select_n3A_297 : i32
    %min3A_301 = arith.minsi %jit3A_299, %max3A_300 : i32
    %eq3A_302 = vector.broadcast %min3A_301 : i32 to vector<1x64xi32>
    %eq3A_303 = arith.cmpi eq, %iota3A, %eq3A_302 : vector<1x64xi32>
    %get3A_304 = arith.constant 1 : index
    %get3A_305 = arith.constant 0 : index
    %get3A_306 = vector.load %arg2[%get3A_304, %get3A_305] : memref<8x64xf32, #tpu.memory_space<vmem>>, vector<1x64xf32>
    %jit3A_307 = arith.constant 0.000000e+00 : f32
    %broadcast_in_dim3A_308 = vector.broadcast %jit3A_307 : f32 to vector<1x64xf32>
    %select_n3A_309 = arith.select %eq3A_303, %get3A_306, %broadcast_in_dim3A_308 : vector<1x64xi1>, vector<1x64xf32>
    %reduce_sum3A_310 = vector.shape_cast %select_n3A_309 : vector<1x64xf32> to vector<1x1x64xf32>
    %reduce_sum3A_311 = arith.constant dense<0.000000e+00> : vector<1xf32>
    %reduce_sum3A_312 = vector.multi_reduction <add>, %reduce_sum3A_310, %reduce_sum3A_311 [1, 2] : vector<1x1x64xf32> to vector<1xf32>
    %reduce_sum3A_313 = vector.shape_cast %reduce_sum3A_312 : vector<1xf32> to vector<1x1x1xf32>
    %reduce_sum3A_314 = vector.extract %reduce_sum3A_313[0, 0, 0] : f32 from vector<1x1x1xf32>
    %eq3A_315 = arith.constant 0 : i32
    %eq3A_316 = arith.cmpi eq, %reduce_min3A_156, %eq3A_315 : i32
    %sub3A_317 = arith.constant 50 : i32
    %sub3A_318 = arith.subi %sub3A_317, %reduce_min3A_156 : i32
    %jit3A_319 = arith.constant 0 : i32
    %select_n3A_320 = arith.select %eq3A_316, %jit3A_319, %sub3A_318 : i32
    %jit3A_321 = arith.constant 0 : i32
    %jit3A_322 = arith.constant 49 : i32
    %max3A_323 = arith.maxsi %jit3A_321, %select_n3A_320 : i32
    %min3A_324 = arith.minsi %jit3A_322, %max3A_323 : i32
    %eq3A_325 = vector.broadcast %min3A_324 : i32 to vector<1x64xi32>
    %eq3A_326 = arith.cmpi eq, %iota3A, %eq3A_325 : vector<1x64xi32>
    %get3A_327 = arith.constant 2 : index
    %get3A_328 = arith.constant 0 : index
    %get3A_329 = vector.load %arg2[%get3A_327, %get3A_328] : memref<8x64xf32, #tpu.memory_space<vmem>>, vector<1x64xf32>
    %jit3A_330 = arith.constant 0.000000e+00 : f32
    %broadcast_in_dim3A_331 = vector.broadcast %jit3A_330 : f32 to vector<1x64xf32>
    %select_n3A_332 = arith.select %eq3A_326, %get3A_329, %broadcast_in_dim3A_331 : vector<1x64xi1>, vector<1x64xf32>
    %reduce_sum3A_333 = vector.shape_cast %select_n3A_332 : vector<1x64xf32> to vector<1x1x64xf32>
    %reduce_sum3A_334 = arith.constant dense<0.000000e+00> : vector<1xf32>
    %reduce_sum3A_335 = vector.multi_reduction <add>, %reduce_sum3A_333, %reduce_sum3A_334 [1, 2] : vector<1x1x64xf32> to vector<1xf32>
    %reduce_sum3A_336 = vector.shape_cast %reduce_sum3A_335 : vector<1xf32> to vector<1x1x1xf32>
    %reduce_sum3A_337 = vector.extract %reduce_sum3A_336[0, 0, 0] : f32 from vector<1x1x1xf32>
    %eq3A_338 = arith.constant 0 : i32
    %eq3A_339 = arith.cmpi eq, %select_n3A_174, %eq3A_338 : i32
    %sub3A_340 = arith.constant 50 : i32
    %sub3A_341 = arith.subi %sub3A_340, %select_n3A_174 : i32
    %jit3A_342 = arith.constant 0 : i32
    %select_n3A_343 = arith.select %eq3A_339, %jit3A_342, %sub3A_341 : i32
    %jit3A_344 = arith.constant 0 : i32
    %jit3A_345 = arith.constant 49 : i32
    %max3A_346 = arith.maxsi %jit3A_344, %select_n3A_343 : i32
    %min3A_347 = arith.minsi %jit3A_345, %max3A_346 : i32
    %eq3A_348 = vector.broadcast %min3A_347 : i32 to vector<1x64xi32>
    %eq3A_349 = arith.cmpi eq, %iota3A, %eq3A_348 : vector<1x64xi32>
    %get3A_350 = arith.constant 0 : index
    %get3A_351 = arith.constant 0 : index
    %get3A_352 = vector.load %arg2[%get3A_350, %get3A_351] : memref<8x64xf32, #tpu.memory_space<vmem>>, vector<1x64xf32>
    %jit3A_353 = arith.constant 0.000000e+00 : f32
    %broadcast_in_dim3A_354 = vector.broadcast %jit3A_353 : f32 to vector<1x64xf32>
    %select_n3A_355 = arith.select %eq3A_349, %get3A_352, %broadcast_in_dim3A_354 : vector<1x64xi1>, vector<1x64xf32>
    %reduce_sum3A_356 = vector.shape_cast %select_n3A_355 : vector<1x64xf32> to vector<1x1x64xf32>
    %reduce_sum3A_357 = arith.constant dense<0.000000e+00> : vector<1xf32>
    %reduce_sum3A_358 = vector.multi_reduction <add>, %reduce_sum3A_356, %reduce_sum3A_357 [1, 2] : vector<1x1x64xf32> to vector<1xf32>
    %reduce_sum3A_359 = vector.shape_cast %reduce_sum3A_358 : vector<1xf32> to vector<1x1x1xf32>
    %reduce_sum3A_360 = vector.extract %reduce_sum3A_359[0, 0, 0] : f32 from vector<1x1x1xf32>
    %eq3A_361 = arith.constant 0 : i32
    %eq3A_362 = arith.cmpi eq, %select_n3A_174, %eq3A_361 : i32
    %sub3A_363 = arith.constant 50 : i32
    %sub3A_364 = arith.subi %sub3A_363, %select_n3A_174 : i32
    %jit3A_365 = arith.constant 0 : i32
    %select_n3A_366 = arith.select %eq3A_362, %jit3A_365, %sub3A_364 : i32
    %jit3A_367 = arith.constant 0 : i32
    %jit3A_368 = arith.constant 49 : i32
    %max3A_369 = arith.maxsi %jit3A_367, %select_n3A_366 : i32
    %min3A_370 = arith.minsi %jit3A_368, %max3A_369 : i32
    %eq3A_371 = vector.broadcast %min3A_370 : i32 to vector<1x64xi32>
    %eq3A_372 = arith.cmpi eq, %iota3A, %eq3A_371 : vector<1x64xi32>
    %get3A_373 = arith.constant 1 : index
    %get3A_374 = arith.constant 0 : index
    %get3A_375 = vector.load %arg2[%get3A_373, %get3A_374] : memref<8x64xf32, #tpu.memory_space<vmem>>, vector<1x64xf32>
    %jit3A_376 = arith.constant 0.000000e+00 : f32
    %broadcast_in_dim3A_377 = vector.broadcast %jit3A_376 : f32 to vector<1x64xf32>
    %select_n3A_378 = arith.select %eq3A_372, %get3A_375, %broadcast_in_dim3A_377 : vector<1x64xi1>, vector<1x64xf32>
    %reduce_sum3A_379 = vector.shape_cast %select_n3A_378 : vector<1x64xf32> to vector<1x1x64xf32>
    %reduce_sum3A_380 = arith.constant dense<0.000000e+00> : vector<1xf32>
    %reduce_sum3A_381 = vector.multi_reduction <add>, %reduce_sum3A_379, %reduce_sum3A_380 [1, 2] : vector<1x1x64xf32> to vector<1xf32>
    %reduce_sum3A_382 = vector.shape_cast %reduce_sum3A_381 : vector<1xf32> to vector<1x1x1xf32>
    %reduce_sum3A_383 = vector.extract %reduce_sum3A_382[0, 0, 0] : f32 from vector<1x1x1xf32>
    %eq3A_384 = arith.constant 0 : i32
    %eq3A_385 = arith.cmpi eq, %select_n3A_174, %eq3A_384 : i32
    %sub3A_386 = arith.constant 50 : i32
    %sub3A_387 = arith.subi %sub3A_386, %select_n3A_174 : i32
    %jit3A_388 = arith.constant 0 : i32
    %select_n3A_389 = arith.select %eq3A_385, %jit3A_388, %sub3A_387 : i32
    %jit3A_390 = arith.constant 0 : i32
    %jit3A_391 = arith.constant 49 : i32
    %max3A_392 = arith.maxsi %jit3A_390, %select_n3A_389 : i32
    %min3A_393 = arith.minsi %jit3A_391, %max3A_392 : i32
    %eq3A_394 = vector.broadcast %min3A_393 : i32 to vector<1x64xi32>
    %eq3A_395 = arith.cmpi eq, %iota3A, %eq3A_394 : vector<1x64xi32>
    %get3A_396 = arith.constant 2 : index
    %get3A_397 = arith.constant 0 : index
    %get3A_398 = vector.load %arg2[%get3A_396, %get3A_397] : memref<8x64xf32, #tpu.memory_space<vmem>>, vector<1x64xf32>
    %jit3A_399 = arith.constant 0.000000e+00 : f32
    %broadcast_in_dim3A_400 = vector.broadcast %jit3A_399 : f32 to vector<1x64xf32>
    %select_n3A_401 = arith.select %eq3A_395, %get3A_398, %broadcast_in_dim3A_400 : vector<1x64xi1>, vector<1x64xf32>
    %reduce_sum3A_402 = vector.shape_cast %select_n3A_401 : vector<1x64xf32> to vector<1x1x64xf32>
    %reduce_sum3A_403 = arith.constant dense<0.000000e+00> : vector<1xf32>
    %reduce_sum3A_404 = vector.multi_reduction <add>, %reduce_sum3A_402, %reduce_sum3A_403 [1, 2] : vector<1x1x64xf32> to vector<1xf32>
    %reduce_sum3A_405 = vector.shape_cast %reduce_sum3A_404 : vector<1xf32> to vector<1x1x1xf32>
    %reduce_sum3A_406 = vector.extract %reduce_sum3A_405[0, 0, 0] : f32 from vector<1x1x1xf32>
    %eq3A_407 = arith.constant 0 : i32
    %eq3A_408 = arith.cmpi eq, %reduce_min3A_251, %eq3A_407 : i32
    %sub3A_409 = arith.constant 50 : i32
    %sub3A_410 = arith.subi %sub3A_409, %reduce_min3A_251 : i32
    %jit3A_411 = arith.constant 0 : i32
    %select_n3A_412 = arith.select %eq3A_408, %jit3A_411, %sub3A_410 : i32
    %jit3A_413 = arith.constant 0 : i32
    %jit3A_414 = arith.constant 49 : i32
    %max3A_415 = arith.maxsi %jit3A_413, %select_n3A_412 : i32
    %min3A_416 = arith.minsi %jit3A_414, %max3A_415 : i32
    %eq3A_417 = vector.broadcast %min3A_416 : i32 to vector<1x64xi32>
    %eq3A_418 = arith.cmpi eq, %iota3A, %eq3A_417 : vector<1x64xi32>
    %get3A_419 = arith.constant 0 : index
    %get3A_420 = arith.constant 0 : index
    %get3A_421 = vector.load %arg2[%get3A_419, %get3A_420] : memref<8x64xf32, #tpu.memory_space<vmem>>, vector<1x64xf32>
    %jit3A_422 = arith.constant 0.000000e+00 : f32
    %broadcast_in_dim3A_423 = vector.broadcast %jit3A_422 : f32 to vector<1x64xf32>
    %select_n3A_424 = arith.select %eq3A_418, %get3A_421, %broadcast_in_dim3A_423 : vector<1x64xi1>, vector<1x64xf32>
    %reduce_sum3A_425 = vector.shape_cast %select_n3A_424 : vector<1x64xf32> to vector<1x1x64xf32>
    %reduce_sum3A_426 = arith.constant dense<0.000000e+00> : vector<1xf32>
    %reduce_sum3A_427 = vector.multi_reduction <add>, %reduce_sum3A_425, %reduce_sum3A_426 [1, 2] : vector<1x1x64xf32> to vector<1xf32>
    %reduce_sum3A_428 = vector.shape_cast %reduce_sum3A_427 : vector<1xf32> to vector<1x1x1xf32>
    %reduce_sum3A_429 = vector.extract %reduce_sum3A_428[0, 0, 0] : f32 from vector<1x1x1xf32>
    %eq3A_430 = arith.constant 0 : i32
    %eq3A_431 = arith.cmpi eq, %reduce_min3A_251, %eq3A_430 : i32
    %sub3A_432 = arith.constant 50 : i32
    %sub3A_433 = arith.subi %sub3A_432, %reduce_min3A_251 : i32
    %jit3A_434 = arith.constant 0 : i32
    %select_n3A_435 = arith.select %eq3A_431, %jit3A_434, %sub3A_433 : i32
    %jit3A_436 = arith.constant 0 : i32
    %jit3A_437 = arith.constant 49 : i32
    %max3A_438 = arith.maxsi %jit3A_436, %select_n3A_435 : i32
    %min3A_439 = arith.minsi %jit3A_437, %max3A_438 : i32
    %eq3A_440 = vector.broadcast %min3A_439 : i32 to vector<1x64xi32>
    %eq3A_441 = arith.cmpi eq, %iota3A, %eq3A_440 : vector<1x64xi32>
    %get3A_442 = arith.constant 3 : index
    %get3A_443 = arith.constant 0 : index
    %get3A_444 = vector.load %arg2[%get3A_442, %get3A_443] : memref<8x64xf32, #tpu.memory_space<vmem>>, vector<1x64xf32>
    %jit3A_445 = arith.constant 0.000000e+00 : f32
    %broadcast_in_dim3A_446 = vector.broadcast %jit3A_445 : f32 to vector<1x64xf32>
    %select_n3A_447 = arith.select %eq3A_441, %get3A_444, %broadcast_in_dim3A_446 : vector<1x64xi1>, vector<1x64xf32>
    %reduce_sum3A_448 = vector.shape_cast %select_n3A_447 : vector<1x64xf32> to vector<1x1x64xf32>
    %reduce_sum3A_449 = arith.constant dense<0.000000e+00> : vector<1xf32>
    %reduce_sum3A_450 = vector.multi_reduction <add>, %reduce_sum3A_448, %reduce_sum3A_449 [1, 2] : vector<1x1x64xf32> to vector<1xf32>
    %reduce_sum3A_451 = vector.shape_cast %reduce_sum3A_450 : vector<1xf32> to vector<1x1x1xf32>
    %reduce_sum3A_452 = vector.extract %reduce_sum3A_451[0, 0, 0] : f32 from vector<1x1x1xf32>
    %eq3A_453 = arith.constant 0 : i32
    %eq3A_454 = arith.cmpi eq, %reduce_min3A_251, %eq3A_453 : i32
    %sub3A_455 = arith.constant 50 : i32
    %sub3A_456 = arith.subi %sub3A_455, %reduce_min3A_251 : i32
    %jit3A_457 = arith.constant 0 : i32
    %select_n3A_458 = arith.select %eq3A_454, %jit3A_457, %sub3A_456 : i32
    %jit3A_459 = arith.constant 0 : i32
    %jit3A_460 = arith.constant 49 : i32
    %max3A_461 = arith.maxsi %jit3A_459, %select_n3A_458 : i32
    %min3A_462 = arith.minsi %jit3A_460, %max3A_461 : i32
    %eq3A_463 = vector.broadcast %min3A_462 : i32 to vector<1x64xi32>
    %eq3A_464 = arith.cmpi eq, %iota3A, %eq3A_463 : vector<1x64xi32>
    %get3A_465 = arith.constant 4 : index
    %get3A_466 = arith.constant 0 : index
    %get3A_467 = vector.load %arg2[%get3A_465, %get3A_466] : memref<8x64xf32, #tpu.memory_space<vmem>>, vector<1x64xf32>
    %jit3A_468 = arith.constant 0.000000e+00 : f32
    %broadcast_in_dim3A_469 = vector.broadcast %jit3A_468 : f32 to vector<1x64xf32>
    %select_n3A_470 = arith.select %eq3A_464, %get3A_467, %broadcast_in_dim3A_469 : vector<1x64xi1>, vector<1x64xf32>
    %reduce_sum3A_471 = vector.shape_cast %select_n3A_470 : vector<1x64xf32> to vector<1x1x64xf32>
    %reduce_sum3A_472 = arith.constant dense<0.000000e+00> : vector<1xf32>
    %reduce_sum3A_473 = vector.multi_reduction <add>, %reduce_sum3A_471, %reduce_sum3A_472 [1, 2] : vector<1x1x64xf32> to vector<1xf32>
    %reduce_sum3A_474 = vector.shape_cast %reduce_sum3A_473 : vector<1xf32> to vector<1x1x1xf32>
    %reduce_sum3A_475 = vector.extract %reduce_sum3A_474[0, 0, 0] : f32 from vector<1x1x1xf32>
    %eq3A_476 = arith.constant 0 : i32
    %eq3A_477 = arith.cmpi eq, %select_n3A_271, %eq3A_476 : i32
    %sub3A_478 = arith.constant 50 : i32
    %sub3A_479 = arith.subi %sub3A_478, %select_n3A_271 : i32
    %jit3A_480 = arith.constant 0 : i32
    %select_n3A_481 = arith.select %eq3A_477, %jit3A_480, %sub3A_479 : i32
    %jit3A_482 = arith.constant 0 : i32
    %jit3A_483 = arith.constant 49 : i32
    %max3A_484 = arith.maxsi %jit3A_482, %select_n3A_481 : i32
    %min3A_485 = arith.minsi %jit3A_483, %max3A_484 : i32
    %eq3A_486 = vector.broadcast %min3A_485 : i32 to vector<1x64xi32>
    %eq3A_487 = arith.cmpi eq, %iota3A, %eq3A_486 : vector<1x64xi32>
    %get3A_488 = arith.constant 0 : index
    %get3A_489 = arith.constant 0 : index
    %get3A_490 = vector.load %arg2[%get3A_488, %get3A_489] : memref<8x64xf32, #tpu.memory_space<vmem>>, vector<1x64xf32>
    %jit3A_491 = arith.constant 0.000000e+00 : f32
    %broadcast_in_dim3A_492 = vector.broadcast %jit3A_491 : f32 to vector<1x64xf32>
    %select_n3A_493 = arith.select %eq3A_487, %get3A_490, %broadcast_in_dim3A_492 : vector<1x64xi1>, vector<1x64xf32>
    %reduce_sum3A_494 = vector.shape_cast %select_n3A_493 : vector<1x64xf32> to vector<1x1x64xf32>
    %reduce_sum3A_495 = arith.constant dense<0.000000e+00> : vector<1xf32>
    %reduce_sum3A_496 = vector.multi_reduction <add>, %reduce_sum3A_494, %reduce_sum3A_495 [1, 2] : vector<1x1x64xf32> to vector<1xf32>
    %reduce_sum3A_497 = vector.shape_cast %reduce_sum3A_496 : vector<1xf32> to vector<1x1x1xf32>
    %reduce_sum3A_498 = vector.extract %reduce_sum3A_497[0, 0, 0] : f32 from vector<1x1x1xf32>
    %eq3A_499 = arith.constant 0 : i32
    %eq3A_500 = arith.cmpi eq, %select_n3A_271, %eq3A_499 : i32
    %sub3A_501 = arith.constant 50 : i32
    %sub3A_502 = arith.subi %sub3A_501, %select_n3A_271 : i32
    %jit3A_503 = arith.constant 0 : i32
    %select_n3A_504 = arith.select %eq3A_500, %jit3A_503, %sub3A_502 : i32
    %jit3A_505 = arith.constant 0 : i32
    %jit3A_506 = arith.constant 49 : i32
    %max3A_507 = arith.maxsi %jit3A_505, %select_n3A_504 : i32
    %min3A_508 = arith.minsi %jit3A_506, %max3A_507 : i32
    %eq3A_509 = vector.broadcast %min3A_508 : i32 to vector<1x64xi32>
    %eq3A_510 = arith.cmpi eq, %iota3A, %eq3A_509 : vector<1x64xi32>
    %get3A_511 = arith.constant 3 : index
    %get3A_512 = arith.constant 0 : index
    %get3A_513 = vector.load %arg2[%get3A_511, %get3A_512] : memref<8x64xf32, #tpu.memory_space<vmem>>, vector<1x64xf32>
    %jit3A_514 = arith.constant 0.000000e+00 : f32
    %broadcast_in_dim3A_515 = vector.broadcast %jit3A_514 : f32 to vector<1x64xf32>
    %select_n3A_516 = arith.select %eq3A_510, %get3A_513, %broadcast_in_dim3A_515 : vector<1x64xi1>, vector<1x64xf32>
    %reduce_sum3A_517 = vector.shape_cast %select_n3A_516 : vector<1x64xf32> to vector<1x1x64xf32>
    %reduce_sum3A_518 = arith.constant dense<0.000000e+00> : vector<1xf32>
    %reduce_sum3A_519 = vector.multi_reduction <add>, %reduce_sum3A_517, %reduce_sum3A_518 [1, 2] : vector<1x1x64xf32> to vector<1xf32>
    %reduce_sum3A_520 = vector.shape_cast %reduce_sum3A_519 : vector<1xf32> to vector<1x1x1xf32>
    %reduce_sum3A_521 = vector.extract %reduce_sum3A_520[0, 0, 0] : f32 from vector<1x1x1xf32>
    %eq3A_522 = arith.constant 0 : i32
    %eq3A_523 = arith.cmpi eq, %select_n3A_271, %eq3A_522 : i32
    %sub3A_524 = arith.constant 50 : i32
    %sub3A_525 = arith.subi %sub3A_524, %select_n3A_271 : i32
    %jit3A_526 = arith.constant 0 : i32
    %select_n3A_527 = arith.select %eq3A_523, %jit3A_526, %sub3A_525 : i32
    %jit3A_528 = arith.constant 0 : i32
    %jit3A_529 = arith.constant 49 : i32
    %max3A_530 = arith.maxsi %jit3A_528, %select_n3A_527 : i32
    %min3A_531 = arith.minsi %jit3A_529, %max3A_530 : i32
    %eq3A_532 = vector.broadcast %min3A_531 : i32 to vector<1x64xi32>
    %eq3A_533 = arith.cmpi eq, %iota3A, %eq3A_532 : vector<1x64xi32>
    %get3A_534 = arith.constant 4 : index
    %get3A_535 = arith.constant 0 : index
    %get3A_536 = vector.load %arg2[%get3A_534, %get3A_535] : memref<8x64xf32, #tpu.memory_space<vmem>>, vector<1x64xf32>
    %jit3A_537 = arith.constant 0.000000e+00 : f32
    %broadcast_in_dim3A_538 = vector.broadcast %jit3A_537 : f32 to vector<1x64xf32>
    %select_n3A_539 = arith.select %eq3A_533, %get3A_536, %broadcast_in_dim3A_538 : vector<1x64xi1>, vector<1x64xf32>
    %reduce_sum3A_540 = vector.shape_cast %select_n3A_539 : vector<1x64xf32> to vector<1x1x64xf32>
    %reduce_sum3A_541 = arith.constant dense<0.000000e+00> : vector<1xf32>
    %reduce_sum3A_542 = vector.multi_reduction <add>, %reduce_sum3A_540, %reduce_sum3A_541 [1, 2] : vector<1x1x64xf32> to vector<1xf32>
    %reduce_sum3A_543 = vector.shape_cast %reduce_sum3A_542 : vector<1xf32> to vector<1x1x1xf32>
    %reduce_sum3A_544 = vector.extract %reduce_sum3A_543[0, 0, 0] : f32 from vector<1x1x1xf32>
    %mul3A_545 = arith.mulf %reduce_sum3A_314, %reduce_sum3A_475 : f32
    %mul3A_546 = arith.mulf %reduce_sum3A_452, %reduce_sum3A_337 : f32
    %sub3A_547 = arith.subf %mul3A_545, %mul3A_546 : f32
    %mul3A_548 = arith.mulf %reduce_sum3A_291, %reduce_sum3A_475 : f32
    %mul3A_549 = arith.mulf %reduce_sum3A_429, %reduce_sum3A_337 : f32
    %sub3A_550 = arith.subf %mul3A_548, %mul3A_549 : f32
    %div3A_551 = arith.divf %sub3A_550, %sub3A_547 : f32
    %swap3A = arith.constant 0 : index
    %swap3A_552 = arith.constant 0 : index
    %swap3A_553 = memref.load %arg4[%swap3A, %swap3A_552] : memref<4x2xf32, #tpu.memory_space<smem>>
    memref.store %div3A_551, %arg4[%swap3A, %swap3A_552] : memref<4x2xf32, #tpu.memory_space<smem>>
    %mul3A_554 = arith.mulf %reduce_sum3A_429, %reduce_sum3A_314 : f32
    %mul3A_555 = arith.mulf %reduce_sum3A_291, %reduce_sum3A_452 : f32
    %sub3A_556 = arith.subf %mul3A_554, %mul3A_555 : f32
    %div3A_557 = arith.divf %sub3A_556, %sub3A_547 : f32
    %swap3A_558 = arith.constant 0 : index
    %swap3A_559 = arith.constant 1 : index
    %swap3A_560 = memref.load %arg4[%swap3A_558, %swap3A_559] : memref<4x2xf32, #tpu.memory_space<smem>>
    memref.store %div3A_557, %arg4[%swap3A_558, %swap3A_559] : memref<4x2xf32, #tpu.memory_space<smem>>
    %mul3A_561 = arith.mulf %reduce_sum3A_383, %reduce_sum3A_475 : f32
    %mul3A_562 = arith.mulf %reduce_sum3A_452, %reduce_sum3A_406 : f32
    %sub3A_563 = arith.subf %mul3A_561, %mul3A_562 : f32
    %mul3A_564 = arith.mulf %reduce_sum3A_360, %reduce_sum3A_475 : f32
    %mul3A_565 = arith.mulf %reduce_sum3A_429, %reduce_sum3A_406 : f32
    %sub3A_566 = arith.subf %mul3A_564, %mul3A_565 : f32
    %div3A_567 = arith.divf %sub3A_566, %sub3A_563 : f32
    %swap3A_568 = arith.constant 1 : index
    %swap3A_569 = arith.constant 0 : index
    %swap3A_570 = memref.load %arg4[%swap3A_568, %swap3A_569] : memref<4x2xf32, #tpu.memory_space<smem>>
    memref.store %div3A_567, %arg4[%swap3A_568, %swap3A_569] : memref<4x2xf32, #tpu.memory_space<smem>>
    %mul3A_571 = arith.mulf %reduce_sum3A_429, %reduce_sum3A_383 : f32
    %mul3A_572 = arith.mulf %reduce_sum3A_360, %reduce_sum3A_452 : f32
    %sub3A_573 = arith.subf %mul3A_571, %mul3A_572 : f32
    %div3A_574 = arith.divf %sub3A_573, %sub3A_563 : f32
    %swap3A_575 = arith.constant 1 : index
    %swap3A_576 = arith.constant 1 : index
    %swap3A_577 = memref.load %arg4[%swap3A_575, %swap3A_576] : memref<4x2xf32, #tpu.memory_space<smem>>
    memref.store %div3A_574, %arg4[%swap3A_575, %swap3A_576] : memref<4x2xf32, #tpu.memory_space<smem>>
    %mul3A_578 = arith.mulf %reduce_sum3A_383, %reduce_sum3A_544 : f32
    %mul3A_579 = arith.mulf %reduce_sum3A_521, %reduce_sum3A_406 : f32
    %sub3A_580 = arith.subf %mul3A_578, %mul3A_579 : f32
    %mul3A_581 = arith.mulf %reduce_sum3A_360, %reduce_sum3A_544 : f32
    %mul3A_582 = arith.mulf %reduce_sum3A_498, %reduce_sum3A_406 : f32
    %sub3A_583 = arith.subf %mul3A_581, %mul3A_582 : f32
    %div3A_584 = arith.divf %sub3A_583, %sub3A_580 : f32
    %swap3A_585 = arith.constant 2 : index
    %swap3A_586 = arith.constant 0 : index
    %swap3A_587 = memref.load %arg4[%swap3A_585, %swap3A_586] : memref<4x2xf32, #tpu.memory_space<smem>>
    memref.store %div3A_584, %arg4[%swap3A_585, %swap3A_586] : memref<4x2xf32, #tpu.memory_space<smem>>
    %mul3A_588 = arith.mulf %reduce_sum3A_498, %reduce_sum3A_383 : f32
    %mul3A_589 = arith.mulf %reduce_sum3A_360, %reduce_sum3A_521 : f32
    %sub3A_590 = arith.subf %mul3A_588, %mul3A_589 : f32
    %div3A_591 = arith.divf %sub3A_590, %sub3A_580 : f32
    %swap3A_592 = arith.constant 2 : index
    %swap3A_593 = arith.constant 1 : index
    %swap3A_594 = memref.load %arg4[%swap3A_592, %swap3A_593] : memref<4x2xf32, #tpu.memory_space<smem>>
    memref.store %div3A_591, %arg4[%swap3A_592, %swap3A_593] : memref<4x2xf32, #tpu.memory_space<smem>>
    %mul3A_595 = arith.mulf %reduce_sum3A_314, %reduce_sum3A_544 : f32
    %mul3A_596 = arith.mulf %reduce_sum3A_521, %reduce_sum3A_337 : f32
    %sub3A_597 = arith.subf %mul3A_595, %mul3A_596 : f32
    %mul3A_598 = arith.mulf %reduce_sum3A_291, %reduce_sum3A_544 : f32
    %mul3A_599 = arith.mulf %reduce_sum3A_498, %reduce_sum3A_337 : f32
    %sub3A_600 = arith.subf %mul3A_598, %mul3A_599 : f32
    %div3A_601 = arith.divf %sub3A_600, %sub3A_597 : f32
    %swap3A_602 = arith.constant 3 : index
    %swap3A_603 = arith.constant 0 : index
    %swap3A_604 = memref.load %arg4[%swap3A_602, %swap3A_603] : memref<4x2xf32, #tpu.memory_space<smem>>
    memref.store %div3A_601, %arg4[%swap3A_602, %swap3A_603] : memref<4x2xf32, #tpu.memory_space<smem>>
    %mul3A_605 = arith.mulf %reduce_sum3A_498, %reduce_sum3A_314 : f32
    %mul3A_606 = arith.mulf %reduce_sum3A_291, %reduce_sum3A_521 : f32
    %sub3A_607 = arith.subf %mul3A_605, %mul3A_606 : f32
    %div3A_608 = arith.divf %sub3A_607, %sub3A_597 : f32
    %swap3A_609 = arith.constant 3 : index
    %swap3A_610 = arith.constant 1 : index
    %swap3A_611 = memref.load %arg4[%swap3A_609, %swap3A_610] : memref<4x2xf32, #tpu.memory_space<smem>>
    memref.store %div3A_608, %arg4[%swap3A_609, %swap3A_610] : memref<4x2xf32, #tpu.memory_space<smem>>
    return
  }
}

</mosaic_0001>

<sc_bundles>
// kernel: kernel.5.cloned.1.call-start
scs
__scs_entry_jumppad:
0x0: {  	(pc) =	sbr.rel $0x88, $3  }
0x1: {  	(tag) =	ssettag $0x0;
	lr =	simm.s32 $0x1  }
0x2: {  	[smem:$0x3F9A] =	sst lr;
	_ =	strace $0xD0000000  }
0x3: {  	_ = 	snop  }
0x4: {  	_ = 	snop  }
0x5: {  	_ = 	snop  }
0x6: {  	_ = 	snop  }
0x7: {  	_ = 	snop  }
__scs_overlays_trampoline_lowered:
0x8: {  	[smem:$0x3FA9] =	sst s0  }
0x9: {  	[smem:$0x3FAA] =	sst s1  }
0xa: {  	[smem:$0x3FAB] =	sst s2  }
0xb: {  	[smem:$0x3FAC] =	sst s3  }
0xc: {  	[smem:$0x3FAD] =	sst s4  }
0xd: {  	[smem:$0x3FAE] =	sst s5  }
0xe: {  	[smem:$0x3FAF] =	sst s6  }
0xf: {  	[smem:$0x3FB0] =	sst s7  }
0x10: {  	[smem:$0x3FB1] =	sst s8  }
0x11: {  	[smem:$0x3FB2] =	sst s9;
	s0 =	simm.s32 @!p0 $0x0  }
0x12: {  	s1 =	sld [smem:$0x3F98];
	s0 =	simm.s32 @p0 $0x1  }
0x13: {  	[smem:$0x3FB3] =	sst s0;
	s0 =	simm.s32 @!p1 $0x0  }
0x14: {  	s2 =	sld [smem:$0x3F97];
	s0 =	simm.s32 @p1 $0x1  }
0x15: {  	[smem:$0x3FB4] =	sst s0;
	s0 =	simm.s32 @!p2 $0x0  }
0x16: {  	s3 =	sld [smem:$0x3FDB];
	s0 =	simm.s32 @p2 $0x1  }
0x17: {  	s4 =	simm.s32 $0x1BF5;
	[smem:$0x3FB6] =	sst s0  }
0x18: {  	s0 =	sld [smem:$0x3F99];
	_ =	swait.ge [sflag:s4], $0x0  }
0x19: {  	s7 =	sld [smem:$0x3F9A]  }
0x1a: {  	s8 =	sadd.s32 $0xFFFFE003, lr  }
0x1b: {  	s9 =	sadd.s32 $0xFFFFFEF7, lr;
	s5 =	simm.s32 $0xFFFFFFFF;
	p2 =	slt.u32 s8, $0xFFFFF086  }
0x1c: {  	p1 =	slt.u32 s9, $0xF7A;
	s5 =	simm.s32 @!p2 $0x0  }
0x1d: {  	s5 =	simm.s32 @p1 $0x1;
	p0 =	seq.s32 s7, s2  }
0x1e: {  	s7 =	smul.u32 @!p0 $0xF7A, s2;
	p2 =	seq.s32 @!p0 s5, $0x0  }
0x1f: {  	s9 =	smul.u32 $0xF7A, s1;
	s8 =	simm.s32 @!p0 $0x1BF5;
	p2 =	por !p2, p0  }
0x20: {  	[sflag:s8] =	ssyncset.s32 @!p0 $0xFFFFF086;
	s6 =	sadd.s32 @!p0 s3, s7;
	s7 =	simm.s32 @!p0 $0x108  }
0x21: {  	s3 =	sadd.s32 s3, s9;
	s6 =	sadd.s32 @!p0 $0x88, s6;
	s7 =	simm.s32 @p2 $0x1082  }
0x22: {  	[simem:s7], [sflag:s8] =	dma.local @!p0 [hbm:s6], $0xF7A  }
0x23: {  	s9 =	sor.u32 $0xD0000000, s2;
	s6 =	simm.s32 $0x108;
	_ =	swait.ge @!p0 [sflag:s8], $0x0  }
0x24: {  	s3 =	sadd.s32 $0x88, s3;
	s6 =	simm.s32 @!p1 $0x1082;
	[sflag:s4] =	ssyncset.s32 $0xFFFFF086  }
0x25: {  	[simem:s6], [sflag:s4] =	dma.local [hbm:s3], $0xF7A  }
0x26: {  	[smem:$0x3F9A] =	sst s1;
	(tag) =	ssettag s2;
	_ =	strace s9  }
0x27: {  	s1 =	sld [smem:$0x3FAA]  }
0x28: {  	s2 =	sld [smem:$0x3FAB]  }
0x29: {  	s4 =	sld [smem:$0x3FAD]  }
0x2a: {  	p0 =	seq.s32 s5, $0x0;
	s5 =	sld [smem:$0x3FAE]  }
0x2b: {  	s6 =	sld [smem:$0x3FAF]  }
0x2c: {  	s7 =	sld [smem:$0x3FB0]  }
0x2d: {  	s3 =	simm.s32 $0x108;
	s8 =	sld [smem:$0x3FB1]  }
0x2e: {  	s3 =	simm.s32 @!p0 $0x1082;
	s9 =	sld [smem:$0x3FB2]  }
0x2f: {  	lr =	sadd.s32 s0, s3;
	s0 =	sld [smem:$0x3FA9]  }
0x30: {  	s3 =	sld [smem:$0x3FAC]  }
0x31: {  	[smem:$0x3FB5] =	sst s10  }
0x32: {  	s10 =	sld [smem:$0x3FB3];
	_ =	sdelay $0x3  }
0x33: {  	p0 =	seq.s32 s10, $0x1;
	s10 =	sld [smem:$0x3FB5];
	_ =	sdelay $0x3  }
0x34: {  	[smem:$0x3FB5] =	sst s10  }
0x35: {  	s10 =	sld [smem:$0x3FB4];
	_ =	sdelay $0x3  }
0x36: {  	p1 =	seq.s32 s10, $0x1;
	s10 =	sld [smem:$0x3FB5];
	_ =	sdelay $0x3  }
0x37: {  	[smem:$0x3FB5] =	sst s10  }
0x38: {  	s10 =	sld [smem:$0x3FB6]  }
0x39: {  	_ = 	snop;
	(pc) =	sbr.ind lr, $3  }
0x3a: {  	_ = 	snop  }
0x3b: {  	_ = 	snop  }
0x3c: {  	p2 =	seq.s32 s10, $0x1;
	s10 =	sld [smem:$0x3FB5]  }
0x3d: {  	_ =	shalt  }
0x3e: {  	_ =	shalt  }
0x3f: {  	_ =	shalt  }
0x40: {  	_ =	shalt  }
0x41: {  	_ =	shalt  }
0x42: {  	_ =	shalt  }
0x43: {  	_ =	shalt  }
0x44: {  	_ =	shalt  }
0x45: {  	_ =	shalt  }
0x46: {  	_ =	shalt  }
0x47: {  	_ =	shalt  }
0x48: {  	_ =	shalt  }
0x49: {  	_ =	shalt  }
0x4a: {  	_ =	shalt  }
0x4b: {  	_ =	shalt  }
0x4c: {  	_ =	shalt  }
0x4d: {  	_ =	shalt  }
0x4e: {  	_ =	shalt  }
0x4f: {  	_ =	shalt  }
0x50: {  	_ =	shalt  }
0x51: {  	_ =	shalt  }
0x52: {  	_ =	shalt  }
0x53: {  	_ =	shalt  }
0x54: {  	_ =	shalt  }
0x55: {  	_ =	shalt  }
0x56: {  	_ =	shalt  }
0x57: {  	_ =	shalt  }
0x58: {  	_ =	shalt  }
0x59: {  	_ =	shalt  }
0x5a: {  	_ =	shalt  }
0x5b: {  	_ =	shalt  }
0x5c: {  	_ =	shalt  }
0x5d: {  	_ =	shalt  }
0x5e: {  	_ =	shalt  }
0x5f: {  	_ =	shalt  }
0x60: {  	_ =	shalt  }
0x61: {  	_ =	shalt  }
0x62: {  	_ =	shalt  }
0x63: {  	_ =	shalt  }
0x64: {  	_ =	shalt  }
0x65: {  	_ =	shalt  }
0x66: {  	_ =	shalt  }
0x67: {  	_ =	shalt  }
0x68: {  	_ =	shalt  }
0x69: {  	_ =	shalt  }
0x6a: {  	_ =	shalt  }
0x6b: {  	_ =	shalt  }
0x6c: {  	_ =	shalt  }
0x6d: {  	_ =	shalt  }
0x6e: {  	_ =	shalt  }
0x6f: {  	_ =	shalt  }
0x70: {  	_ =	shalt  }
0x71: {  	_ =	shalt  }
0x72: {  	_ =	shalt  }
0x73: {  	_ =	shalt  }
0x74: {  	_ =	shalt  }
0x75: {  	_ =	shalt  }
0x76: {  	_ =	shalt  }
0x77: {  	_ =	shalt  }
0x78: {  	_ =	shalt  }
0x79: {  	_ =	shalt  }
0x7a: {  	_ =	shalt  }
0x7b: {  	_ =	shalt  }
0x7c: {  	_ =	shalt  }
0x7d: {  	_ =	shalt  }
0x7e: {  	_ =	shalt  }
0x7f: {  	_ =	shalt  }
0x80: {  	_ =	shalt  }
0x81: {  	_ =	shalt  }
0x82: {  	_ =	shalt  }
0x83: {  	_ =	shalt  }
0x84: {  	_ =	shalt  }
0x85: {  	_ =	shalt  }
0x86: {  	_ =	shalt  }
0x87: {  	_ =	shalt  }
.Lfunc_end0:
.L_simem_size_0:
called_computation_lowered:
.L_overlay_start_0:
0x88: {  	s2 =	sld [smem:$0x3FD9]  }
0x89: {  	s3 =	sld [smem:$0x3FFE];
	_ =	sdelay $0x1  }
0x8a: {  	s1 =	srdreg.scid  }
0x8b: {  	s0 =	sand.u32 $0x1, s1  }
0x8c: {  	s16 =	sshll.u32 s0, $0xA;
	s2 =	sadd.s32 s3, s2  }
0x8d: {  	s2 =	sadd.s32 s2, s16  }
0x8e: {  	[smem:$0x3FC1] =	sst s2  }
0x8f: {  	_ = 	snop  }
0x90: {  	(tm) =	ssettm $0x1  }
0x91: {  	s17 =	sld [smem:$0x3FFB];
	_ =	sdelay $0x3  }
0x92: {  	_ =	strace s17  }
0x93: {  	s2 =	sld [smem:$0x3FFC];
	_ =	sdelay $0x3  }
0x94: {  	_ =	strace s2  }
0x95: {  	s2 =	sld [smem:$0x3FFD];
	_ =	sdelay $0x3  }
0x96: {  	_ =	strace s2  }
0x97: {  	_ =	strace $0x8FFFFFFF  }
0x98: {  	s18 =	sld [smem:$0x3FDB];
	_ =	sdelay $0x1  }
0x99: {  	s19 =	simm.s32 $_scs_section_size  }
0x9a: {  	s4 =	simm.s32 $_size__tile_overlayer_lowered;
	s5 =	simm.s32 $_tile_overlayer_lowered  }
0x9b: {  	s22 =	simm.s32 $0x1BFF;
	s21 =	sshll.u32 s5, $0x1;
	s2 =	sadd.s32 s19, s18  }
0x9c: {  	s6 =	simm.s32 $0x0;
	s20 =	sshll.u32 s4, $0x1;
	s4 =	sadd.s32 s21, s2  }
0x9d: {  	[timem:s6], [sflag:s22] =	dma.local [hbm:s4], s20  }
0x9e: {  	_ =	swait.ge [sflag:s22], s20  }
0x9f: {  	s3 =	ssub.s32 $0x0, s20;
	[sflag:s22] =	ssyncset.done $0x0  }
0xa0: {  	[sflag:s22] =	ssyncadd.s32 s3;
	_ =	sdelay $0x1  }
0xa1: {  	s23 =	simm.s32 $0x1B8B  }
0xa2: {  	_ =	swait.ge [sflag:s23], $0x1  }
0xa3: {  	[sflag:s23] =	ssyncset.done $0x0  }
0xa4: {  	s25 =	simm.s32 $0x1B8E;
	s24 =	sld [smem:$0x3FFE];
	[sflag:s23] =	ssyncadd.s32 $0xFFFFFFFF  }
0xa5: {  	s26 =	simm.s32 $execute0_lowered;
	[smem:$0x3FD2] =	sst s25  }
0xa6: {  	s4 =	sshll.u32 s26, $0x1;
	_ =	strace $0x80000046;
	[dreg:$0x1] =	wrdreg $0xFFFFFFFF  }
0xa7: {  	s28 =	simm.s32 $_size_execute0_lowered;
	s2 =	sadd.s32 s2, s4;
	[dreg:$0x0] =	wrdreg $0x0  }
0xa8: {  	s4 =	sshll.u32 s28, $0x1;
	[dreg:$0x2] =	wrdreg s2  }
0xa9: {  	[dreg:$0x3] =	wrdreg s4  }
0xaa: {  	[dreg:$0x4] =	wrdreg $0xC0  }
0xab: {  	_ =	task [dreg:s6], $0x5FFFF  }
0xac: {  	[dreg:$0x1] =	wrdreg $0xFFFFFFFF  }
0xad: {  	[dreg:$0x0] =	wrdreg $0x60  }
0xae: {  	[dreg:$0x2] =	wrdreg s24  }
0xaf: {  	[dreg:$0x3] =	wrdreg $0x9  }
0xb0: {  	_ =	task.clear_ibuf [dreg:s6], $0x4FFFF;
	_ =	strace $0x90000046  }
0xb1: {  	s29 =	simm.s32 $0x9;
	_ =	strace $0x80000048  }
0xb2: {  	_ =	swait.ge [sflag:s29], $0x1  }
0xb3: {  	[sflag:s29] =	ssyncadd.s32 $0xFFFFFFFF  }
0xb4: {  	_ =	strace $0x90000048  }
0xb5: {  	_ =	sfence  }
0xb6: {  	s30 =	sld [smem:$0x0];
	_ =	sdelay $0x2  }
0xb7: {  	s31 =	sshll.u32 s1, $0xD;
	s1 =	sshrl.u32 s1, $0x2  }
0xb8: {  	s3 =	sand.u32 $0x4000, s31;
	s1 =	sadd.s32 s1, s30  }
0xb9: {  	s0 =	sor.u32 s3, s0;
	s1 =	sshll.u32 s1, $0x11  }
0xba: {  	s0 =	sor.u32 s1, s0  }
0xbb: {  	s0 =	sadd.s32 $0x8F2B, s0  }
0xbc: {  	[sflag:s0] =	ssyncadd.remote.s32 $0x1  }
0xbd: {  	_ =	sfence.sel $0xFFFF  }
0xbe: {  	[dreg:$0x0] =	wrdreg $0xFFFFFFFF;
	(pc) =	sbr.abs _section_cstart, $3  }
0xbf: {  	[dreg:$0x1] =	wrdreg $0xFFFFFFFF  }
0xc0: {  	_ =	task.clear_ibuf [dreg:s6], $0x2FFFF;
	_ =	strace $0x9FFFFFFF  }
0xc1: {  	(tm) =	ssettm $0x7FFFFFFF  }
tec
execute0_lowered:
.L_overlay_start_1:
0x0: {  	(tag) =	ssettag $0x1  }
0x1: {  	s3 =	rddreg [dreg:$0x0]  }
0x2: {  	s0 =	rddreg [dreg:$0x1]  }
0x3: {  	s4 =	srdreg.scid;
	s1 =	stileid.u32;
	s2 =	simm.s32 $0x0  }
0x4: {  	s10 =	simm.s32 $0x10000;
	s11 =	simm.s32 $0x11000;
	s12 =	simm.s32 $0x1  }
0x5: {  	s13 =	simm.s32 $0x12000;
	s14 =	simm.s32 $0x2;
	s15 =	simm.s32 $0x0  }
0x6: {  	s4 =	sand.u32 $0x1, s4;
	s5 =	sshll.u32 s1, $0x1;
	[smem:$0x7FF] =	sst s2  }
0x7: {  	s5 =	sor.u32 s4, s5;
	_ =	strace $0x80000047;
	s4 =	ssub.s32 $0x2, s4  }
0x8: {  	s6 =	sshll.u32 s5, $0xC;
	s7 =	sshll.u32 s5, $0x9;
	s5 =	sshll.u32 s5, $0x4  }
0x9: {  	s8 =	sshrl.u32 s4, $0x1;
	s6 =	sadd.s32 s6, s3;
	s7 =	sadd.s32 s7, s3  }
0xa: {  	s9 =	sadd.s32 s5, s3;
	s8 =	ssub.s32 s4, s8;
	s3 =	sadd.s32 $0x1800, s6  }
0xb: {  	s4 =	sadd.s32 $0x21800, s6;
	s5 =	sadd.s32 $0x41800, s7;
	s6 =	sadd.s32 $0x45800, s7  }
0xc: {  	s7 =	sadd.s32 $0x49800, s9;
	s8 =	smax.u32 s8, $0x1;
	s9 =	simm.s32 $0x8000  }
.LBB2_1:
0xd: {  	[tilespmem:s2], [sflag:$0x1] =	stream.linear.gather [hbm4b:s3+s2], $0x8000, $0x38;
	[tilespmem:$0x12080] =	vst v63  }
0xe: {  	_ = 	snop  }
0xf: {  	[tilespmem:s9], [sflag:$0x1] =	stream.linear.gather [hbm4b:s4+s2], $0x8000, $0x38;
	[tilespmem:$0x12080] =	vst v63  }
0x10: {  	_ = 	snop  }
0x11: {  	[tilespmem:s10], [sflag:$0x1] =	stream.linear.gather [hbm4b:s5+s2], $0x1000, $0x38;
	[tilespmem:$0x12080] =	vst v63  }
0x12: {  	_ = 	snop  }
0x13: {  	[tilespmem:s11], [sflag:$0x1] =	stream.linear.gather [hbm4b:s6+s2], $0x1000, $0x38;
	[tilespmem:$0x12080] =	vst v63  }
0x14: {  	_ =	swait.ge [sflag:s12], $0x8000  }
0x15: {  	[sflag:s12] =	ssyncset.done $0x0  }
0x16: {  	[sflag:s12] =	ssyncadd.s32 $0xFFFF8000  }
0x17: {  	_ =	swait.ge [sflag:s12], $0x8000  }
0x18: {  	[sflag:s12] =	ssyncset.done $0x0  }
0x19: {  	[sflag:s12] =	ssyncadd.s32 $0xFFFF8000  }
0x1a: {  	_ =	swait.ge [sflag:s12], $0x1000  }
0x1b: {  	[sflag:s12] =	ssyncset.done $0x0  }
0x1c: {  	[sflag:s12] =	ssyncadd.s32 $0xFFFFF000  }
0x1d: {  	_ =	swait.ge [sflag:s12], $0x1000  }
0x1e: {  	[sflag:s12] =	ssyncset.done $0x0  }
0x1f: {  	s16 =	simm.s32 $0x10020;
	[sflag:s12] =	ssyncadd.s32 $0xFFFFF000  }
0x20: {  	s17 =	simm.s32 $0x11020;
	v4 =	vld [tilespmem:s16+$0xFFFFFFE0]  }
0x21: {  	v1 =	vld [tilespmem:s17+$0xFFFFFFF0]  }
0x22: {  	v6 =	vld [tilespmem:s16+$0xFFFFFFF0]  }
0x23: {  	v7 =	vld [tilespmem:s17+$0xFFFFFFE0]  }
0x24: {  	v2 =	vld [tilespmem:s17+$0x0]  }
0x25: {  	v3 =	vld [tilespmem:s17+$0x10]  }
0x26: {  	v9 =	vmov s2;
	v18 =	vld [tilespmem:s16+$0x0]  }
0x27: {  	v10 =	vshll.u32 v9, $0x7;
	v9 =	vshll.u32 v9, $0xA  }
0x28: {  	v0 =	vimm.f32 $0.0e+00;
	v15 =	vand.u32 $0x6000, v9;
	v8 =	vadd.s32 $0xFFFFFFFF, v4  }
0x29: {  	vm1 =	vgt.s32 v6, $0x0;
	vm2 =	vgt.s32 v7, $0x0;
	v12 =	vadd.s32 $0xFFFFFFFF, v1  }
0x2a: {  	v14 =	vadd.s32 $0xFFFFFFFF, v2;
	v6 =	vadd.s32 $0xFFFFFFFF, v6;
	v16 =	vadd.s32 $0xFFFFFFFF, v3  }
0x2b: {  	v5 =	vld [tilespmem:s16+$0x10];
	v7 =	vadd.s32 $0xFFFFFFFF, v7;
	v20 =	vadd.s32 $0xFFFFFFFF, v18;
	vm0 =	vgt.s32 v8, $0x0  }
0x2c: {  	vm3 =	vgt.s32 v6, $0x0;
	vm4 =	vgt.s32 v12, $0x0;
	vm15 =	vgt.s32 v16, $0x0  }
0x2d: {  	v8 =	vnsel vm0, $0x0, v8;
	v6 =	vnsel vm3, $0x0, v6;
	vm3 =	vgt.s32 v7, $0x0  }
0x2e: {  	v9 =	vnsel vm4, $0x0, v12;
	v16 =	vnsel vm15, $0x0, v16;
	v11 =	vshll.u32 v8, $0x3  }
0x2f: {  	v17 =	vand.u32 $0x7F, v8;
	v12 =	vshll.u32 v6, $0x3;
	v6 =	vand.u32 $0x7F, v6  }
0x30: {  	v19 =	vand.u32 $0xFFFFFC00, v11;
	v11 =	vadd.s32 $0xFFFFFFFF, v5;
	v12 =	vand.u32 $0xFFFFFC00, v12  }
0x31: {  	v23 =	vand.u32 $0x7F, v9;
	vm0 =	vgt.s32 v11, $0x0;
	v12 =	vadd.s32 v15, v12  }
0x32: {  	v25 =	vadd.s32 v15, v19;
	v8 =	vnsel vm0, $0x0, v11;
	v11 =	vand.u32 $0x380, v10  }
0x33: {  	vm0 =	vgt.s32 v5, $0x0;
	v5 =	vnsel vm3, $0x0, v7;
	v10 =	vshll.u32 v16, $0x3  }
0x34: {  	vm3 =	vgt.s32 v20, $0x0;
	v13 =	vand.u32 $0x7F, v8;
	v8 =	vshll.u32 v8, $0x3  }
0x35: {  	v6 =	vor.u32 v6, v12;
	v7 =	vand.u32 $0xFFFFFC00, v8;
	v8 =	vshll.u32 v5, $0x3  }
0x36: {  	v12 =	vimm.f32 $0.0e+00;
	v21 =	vnsel vm3, $0x0, v20;
	v8 =	vand.u32 $0xFFFFFC00, v8  }
0x37: {  	v20 =	vor.u32 v11, v6;
	v5 =	vand.u32 $0x7F, v5;
	v8 =	vadd.s32 v15, v8  }
0x38: {  	v6 =	vshll.u32 v9, $0x3;
	v9 =	vimm.f32 $0.0e+00;
	v5 =	vor.u32 v5, v8  }
0x39: {  	v27 =	vand.u32 $0x7F, v21;
	v8 =	vshll.u32 v21, $0x3;
	v22 =	vor.u32 v11, v5  }
0x3a: {  	v21 =	vadd.s32 v15, v7;
	v7 =	vimm.f32 $0.0e+00;
	v5 =	vand.u32 $0xFFFFFC00, v8  }
0x3b: {  	v8 =	vimm.f32 $0.0e+00;
	v24 =	vadd.s32 v15, v5;
	v5 =	vand.u32 $0xFFFFFC00, v6  }
0x3c: {  	v6 =	vimm.f32 $0.0e+00;
	v26 =	vadd.s32 v15, v5;
	v5 =	vand.u32 $0xFFFFFC00, v10  }
0x3d: {  	s18 =	simm.s32 $0x100A0;
	s16 =	simm.s32 $0x1;
	s17 =	simm.s32 $0x110A0;
	v10 =	vimm.f32 $0.0e+00;
	v19 =	vadd.s32 v15, v5;
	v5 =	vimm.f32 $0.0e+00  }
.LBB2_2:
0x3e: {  	p0 =	sne.s32 s16, $0x1F;
	v24 =	vor.u32 v27, v24;
	v22 =	vld.idx.msk [tilespmem:v22+s9+$0x0], vm2;
	v23 =	vor.u32 v23, v26;
	vm2 =	vgt.s32 v14, $0x0;
	s19 =	smov.u32 s16;
	s16 =	sadd.s32 $0x1, s16  }
0x3f: {  	v17 =	vor.u32 v17, v25;
	v20 =	vld.idx.msk [tilespmem:v20+s2+$0x0], vm1;
	v24 =	vor.u32 v11, v24;
	v14 =	vnsel vm2, $0x0, v14  }
0x40: {  	v26 =	vor.u32 v11, v17;
	v17 =	vor.u32 v11, v23;
	v25 =	vld [tilespmem:s18+$0xFFFFFFE0];
	v23 =	vshll.u32 v14, $0x3  }
0x41: {  	vm3 =	vgt.s32 v4, $0x0;
	vm1 =	vgt.s32 v1, $0x0;
	v27 =	vld [tilespmem:s18+$0x10];
	v4 =	vand.u32 $0xFFFFFC00, v23  }
0x42: {  	vm2 =	vgt.s32 v18, $0x0;
	v14 =	vand.u32 $0x7F, v14;
	v1 =	vld [tilespmem:s17+$0xFFFFFFF0];
	v4 =	vadd.s32 v15, v4  }
0x43: {  	vm5 =	vgt.s32 v2, $0x0;
	vm4 =	vgt.s32 v3, $0x0;
	v15 =	vld [tilespmem:s18+$0xFFFFFFF0];
	v2 =	vor.u32 v14, v4  }
0x44: {  	v3 =	vand.u32 $0x7F, v16;
	v0 =	vadd.f32 v22, v0;
	v18 =	vld [tilespmem:s17+$0xFFFFFFE0];
	v14 =	vor.u32 v11, v2  }
0x45: {  	v13 =	vor.u32 v13, v21;
	v16 =	vor.u32 v3, v19;
	v8 =	vadd.f32 v20, v8;
	v2 =	vld [tilespmem:s17+$0x0];
	v4 =	vmovc v25  }
0x46: {  	v19 =	vmov s19;
	v13 =	vor.u32 v11, v13;
	v20 =	vadd.s32 $0xFFFFFFFF, v4;
	v3 =	vld [tilespmem:s17+$0x10]  }
0x47: {  	v21 =	vshll.u32 v19, $0x7;
	v11 =	vor.u32 v11, v16;
	vm6 =	vgt.s32 v20, $0x0;
	v22 =	vld.idx.msk [tilespmem:v17+s9+$0x0], vm1  }
0x48: {  	v19 =	vshll.u32 v19, $0xA;
	v16 =	vnsel vm6, $0x0, v20;
	vm1 =	vgt.s32 v15, $0x0;
	v20 =	vld.idx.msk [tilespmem:v24+s2+$0x0], vm2  }
0x49: {  	v23 =	vadd.s32 $0xFFFFFFFF, v1;
	v17 =	vshll.u32 v16, $0x3;
	vm2 =	vgt.s32 v18, $0x0;
	v24 =	vld.idx.msk [tilespmem:v14+s9+$0x0], vm5  }
0x4a: {  	v28 =	vadd.s32 $0xFFFFFFFF, v27;
	v25 =	vand.u32 $0xFFFFFC00, v17;
	v14 =	vadd.s32 $0xFFFFFFFF, v2  }
0x4b: {  	v15 =	vadd.s32 $0xFFFFFFFF, v15;
	vm5 =	vgt.s32 v28, $0x0;
	v29 =	vadd.s32 $0xFFFFFFFF, v3;
	v30 =	vld.idx.msk [tilespmem:v13+s2+$0x0], vm0  }
0x4c: {  	vm6 =	vgt.s32 v23, $0x0;
	v17 =	vand.u32 $0x7F, v16;
	vm0 =	vgt.s32 v15, $0x0;
	v31 =	vld.idx.msk [tilespmem:v11+s9+$0x0], vm4  }
0x4d: {  	v16 =	vadd.s32 $0xFFFFFFFF, v18;
	v32 =	vnsel vm0, $0x0, v15;
	v5 =	vadd.f32 v22, v5;
	v26 =	vld.idx.msk [tilespmem:v26+s2+$0x0], vm3  }
0x4e: {  	v22 =	vnsel vm5, $0x0, v28;
	vm3 =	vgt.s32 v16, $0x0;
	v9 =	vadd.f32 v20, v9  }
0x4f: {  	v15 =	vand.u32 $0x6000, v19;
	v13 =	vand.u32 $0x7F, v22;
	v6 =	vadd.f32 v24, v6  }
0x50: {  	v11 =	vand.u32 $0x380, v21;
	v21 =	vnsel vm6, $0x0, v23;
	v19 =	vshll.u32 v22, $0x3;
	v18 =	vld [tilespmem:s18+$0x0]  }
0x51: {  	vm0 =	vgt.s32 v27, $0x0;
	v20 =	vnsel vm3, $0x0, v16;
	vm3 =	vgt.s32 v29, $0x0  }
0x52: {  	v19 =	vand.u32 $0xFFFFFC00, v19;
	v16 =	vnsel vm3, $0x0, v29;
	v10 =	vadd.f32 v30, v10  }
0x53: {  	v22 =	vshll.u32 v20, $0x3;
	v28 =	vshll.u32 v16, $0x3;
	v7 =	vadd.f32 v31, v7  }
0x54: {  	v23 =	vshll.u32 v32, $0x3;
	v22 =	vand.u32 $0xFFFFFC00, v22;
	v12 =	vadd.f32 v26, v12  }
0x55: {  	v24 =	vand.u32 $0x7F, v32;
	v20 =	vand.u32 $0x7F, v20;
	v26 =	vadd.s32 $0xFFFFFFFF, v18  }
0x56: {  	v23 =	vand.u32 $0xFFFFFC00, v23;
	v22 =	vadd.s32 v15, v22;
	vm3 =	vgt.s32 v26, $0x0  }
0x57: {  	v23 =	vadd.s32 v15, v23;
	v20 =	vor.u32 v20, v22;
	v26 =	vnsel vm3, $0x0, v26  }
.Ltmp0:
0x58: {  	v23 =	vor.u32 v24, v23;
	v22 =	vor.u32 v11, v20;
	v24 =	vshll.u32 v26, $0x3;
	(pc) =	sbr.rel @p0 .LBB2_2-.Ltmp0, $4  }
0x59: {  	v27 =	vshll.u32 v21, $0x3;
	v20 =	vor.u32 v11, v23;
	v23 =	vand.u32 $0xFFFFFC00, v24  }
0x5a: {  	v24 =	vadd.s32 v15, v23;
	v23 =	vand.u32 $0x7F, v21;
	v21 =	vand.u32 $0xFFFFFC00, v27  }
0x5b: {  	v28 =	vand.u32 $0xFFFFFC00, v28;
	v27 =	vand.u32 $0x7F, v26;
	v26 =	vadd.s32 v15, v21  }
0x5c: {  	s17 =	sadd.s32 $0x80, s17;
	v25 =	vadd.s32 v15, v25;
	s18 =	sadd.s32 $0x80, s18;
	v21 =	vadd.s32 v15, v19;
	v19 =	vadd.s32 v15, v28  }
0x5d: {  	v24 =	vor.u32 v27, v24;
	v23 =	vor.u32 v23, v26;
	vm3 =	vgt.s32 v14, $0x0  }
0x5e: {  	v17 =	vor.u32 v17, v25;
	vm4 =	vgt.s32 v4, $0x0;
	vm13 =	vgt.s32 v18, $0x0  }
0x5f: {  	vm5 =	vgt.s32 v1, $0x0;
	v13 =	vor.u32 v13, v21;
	vm14 =	vgt.s32 v2, $0x0  }
0x60: {  	v56 =	vand.u32 $0x7F, v16;
	v14 =	vnsel vm3, $0x0, v14;
	v17 =	vor.u32 v11, v17  }
0x61: {  	vm15 =	vgt.s32 v3, $0x0;
	v52 =	vor.u32 v11, v24;
	v53 =	vshll.u32 v14, $0x3  }
0x62: {  	v23 =	vor.u32 v11, v23;
	v13 =	vor.u32 v11, v13;
	v54 =	vand.u32 $0xFFFFFC00, v53  }
0x63: {  	v58 =	vld.idx.msk [tilespmem:v20+s2+$0x0], vm1;
	v2 =	vor.u32 v56, v19;
	v14 =	vand.u32 $0x7F, v14;
	v1 =	vadd.s32 v15, v54  }
0x64: {  	v55 =	vld.idx.msk [tilespmem:v22+s9+$0x0], vm2;
	v2 =	vor.u32 v11, v2;
	v1 =	vor.u32 v14, v1  }
0x65: {  	v57 =	vld.idx.msk [tilespmem:v17+s2+$0x0], vm4;
	v1 =	vor.u32 v11, v1  }
0x66: {  	v4 =	vld.idx.msk [tilespmem:v52+s2+$0x0], vm13  }
0x67: {  	v59 =	vld.idx.msk [tilespmem:v13+s2+$0x0], vm0  }
0x68: {  	v3 =	vadd.f32 v58, v8;
	v60 =	vld.idx.msk [tilespmem:v23+s9+$0x0], vm5  }
0x69: {  	v0 =	vadd.f32 v55, v0;
	v2 =	vld.idx.msk [tilespmem:v2+s9+$0x0], vm15  }
0x6a: {  	v1 =	vld.idx.msk [tilespmem:v1+s9+$0x0], vm14;
	v12 =	vadd.f32 v57, v12;
	[tilespmem:$0x12010] =	vst v3  }
0x6b: {  	v4 =	vadd.f32 v4, v9;
	[tilespmem:$0x12040] =	vst v0  }
0x6c: {  	v61 =	vadd.f32 v59, v10;
	[tilespmem:$0x12000] =	vst v12  }
0x6d: {  	v62 =	vadd.f32 v60, v5;
	[tilespmem:$0x12020] =	vst v4  }
0x6e: {  	v63 =	vadd.f32 v2, v7;
	[tilespmem:$0x12030] =	vst v61  }
0x6f: {  	s15 =	sadd.s32 $0x1, s15;
	[tilespmem:$0x12050] =	vst v62;
	v1 =	vadd.f32 v1, v6  }
0x70: {  	p0 =	sne.s32 s15, s8;
	[tilespmem:$0x12070] =	vst v63  }
.Ltmp1:
0x71: {  	[tilespmem:$0x12060] =	vst v1;
	(pc) =	sbr.rel @p0 .LBB2_1-.Ltmp1, $4  }
0x72: {  	[hbm4b:s7+s2] =	stream.linear.scatter [tilespmem:s13], [sflag:$0x2], $0x80, $0x38;
	[tilespmem:$0x12080] =	vst v63  }
0x73: {  	_ =	swait.ge [sflag:s14], $0x80  }
0x74: {  	[sflag:s14] =	ssyncset.done $0x0  }
0x75: {  	[sflag:s14] =	ssyncadd.s32 $0xFFFFFF80  }
0x76: {  	_ =	sfence.sel $0x180000  }
0x77: {  	[bflag:$0x0] =	sbarrier.arrive $0xFFFF  }
0x78: {  	p0 =	sne.s32 s1, $0x0;
	_ =	strace $0x90000047  }
0x79: {  	s0 =	sadd.s32 @!p0 $0x100000, s0;
	[bflag:$0x2] =	sbarrier.arrive $0xFFFF  }
0x7a: {  	[sflag:s0] =	ssyncadd.tile.s32 @!p0 $0x1;
	_ =	shalt  }
.Lfunc_end2:
_tile_overlayer_lowered:
.L_overlay_start_2:
0x7b: {  	(tag) =	ssettag $0x2  }
0x7c: {  	s0 =	rddreg [dreg:$0x0];
	s2 =	stileid.u32  }
0x7d: {  	s1 =	rddreg [dreg:$0x1];
	p0 =	sne.s32 s2, $0x0  }
0x7e: {  	s3 =	rddreg [dreg:$0x2];
	[bflag:$0x3] =	sbarrier.arrive $0xFFFF;
	s2 =	simm.s32 @!p0 $0x1C02  }
0x7f: {  	[timem:s3], [sflag:s2] =	dma.local @!p0 [hbm:s0], s1  }
0x80: {  	s0 =	simm.s32 @!p0 $0x2  }
0x81: {  	_ =	swait.ge @!p0 [sflag:s0], s1  }
0x82: {  	s1 =	ssub.s32 @!p0 $0x0, s1;
	[sflag:s0] =	ssyncset.done @!p0 $0x0  }
0x83: {  	[sflag:s0] =	ssyncadd.s32 @!p0 s1  }
0x84: {  	[bflag:$0x3] =	sbarrier.arrive $0xFFFF  }
0x85: {  	_ =	shalt  }

</sc_bundles>
